<compile_context>
chip_gen: v7x
topology: tpu7x:2x2x1
jax: 0.10.2.dev20260603
libtpu: 0.0.44.dev20260713+nightly
codegen_flags: <defaults>
</compile_context>

<pallas_src>
import functools

import jax
import jax.numpy as jnp
import numpy as np
from jax import lax
from jax.experimental import pallas as pl
from jax.experimental.pallas import tpu as pltpu
from jax.experimental.pallas import tpu_sc as plsc

B = 8
N = 4096
S = 512
K = 32
DPAD = 128
R2 = np.float32(0.2 ** 2)



def _fps_body(planes_ref, out_ref, dist_ref):
    X = planes_ref[0]
    Y = planes_ref[1]
    Z = planes_ref[2]
    iota = lax.broadcasted_iota(jnp.int32, (B, N), 1)
    dist_ref[...] = jnp.full((B, N), 1e10, jnp.float32)

    def body(i, far):
        sel = iota == far
        cx = jnp.sum(jnp.where(sel, X, 0.0), axis=1, keepdims=True)
        cy = jnp.sum(jnp.where(sel, Y, 0.0), axis=1, keepdims=True)
        cz = jnp.sum(jnp.where(sel, Z, 0.0), axis=1, keepdims=True)
        out_ref[pl.ds(i, 1), :, :] = jnp.concatenate(
            [cx, cy, cz], axis=1)[None]
        dx = X - cx
        dy = Y - cy
        dz = Z - cz
        sx = dx * dx
        sy = dy * dy
        sz = dz * dz
        d = (sx + sy) + sz
        dist = jnp.minimum(dist_ref[...], d)
        dist_ref[...] = dist
        m = jnp.max(dist, axis=1, keepdims=True)
        cand = jnp.where(dist == m, iota, N)
        return jnp.min(cand, axis=1, keepdims=True)

    lax.fori_loop(0, S, body, jnp.zeros((B, 1), jnp.int32))


def _fps(planes):
    return pl.pallas_call(
        _fps_body,
        out_shape=jax.ShapeDtypeStruct((S, B, 3), jnp.float32),
        scratch_shapes=[pltpu.VMEM((B, N), jnp.float32)],
    )(planes)



def _take16(v, idx):
    return lax.gather(
        v, idx[:, None],
        dimension_numbers=lax.GatherDimensionNumbers(
            offset_dims=(), collapsed_slice_dims=(0,), start_index_map=(0,)),
        slice_sizes=(1,),
        mode=lax.GatherScatterMode.PROMISE_IN_BOUNDS)


def _make_sc_gather():
    info = plsc.get_sparse_core_info()
    NC, NS = info.num_cores, info.num_subcores
    NW = NC * NS
    CPW = (B * S) // NW
    TPB = NW // B
    mesh = plsc.VectorSubcoreMesh(core_axis_name="c", subcore_axis_name="s")

    @functools.partial(
        pl.kernel,
        mesh=mesh,
        out_type=jax.ShapeDtypeStruct((B * S * K, DPAD), jnp.float32),
        scratch_types=[
            pltpu.VMEM((3 * N,), jnp.float32),
            pltpu.VMEM((16 * S,), jnp.float32),
            pltpu.VMEM((64,), jnp.int32),
            pltpu.VMEM((K,), jnp.int32),
            pltpu.VMEM((K,), jnp.int32),
            pltpu.VMEM((K, DPAD), jnp.float32),
            pltpu.VMEM((K, DPAD), jnp.float32),
            pltpu.SemaphoreType.DMA,
            pltpu.SemaphoreType.DMA,
            pltpu.SemaphoreType.DMA,
            pltpu.SemaphoreType.DMA,
        ],
        compiler_params=pltpu.CompilerParams(needs_layout_passes=False),
    )
    def sck(xyzT_hbm, cT_hbm, table_hbm, out_hbm,
            planes_v, cents_v, idxbuf_v, idx0, idx1, rows0, rows1,
            gsem0, gsem1, osem0, osem1):
        wid = lax.axis_index("c") * NS + lax.axis_index("s")
        b = wid // TPB
        q = wid % TPB
        pltpu.sync_copy(xyzT_hbm.at[b], planes_v)
        pltpu.sync_copy(cT_hbm.at[b], cents_v)
        iota16 = lax.iota(jnp.int32, 16)
        zeros16 = jnp.zeros((16,), jnp.int32)
        base_pt = b * N

        def do_scan(i, idx_ref):
            sidx = q * CPW + i
            cv = cents_v[pl.ds(sidx * 16, 16)]
            cx = _take16(cv, zeros16)
            cy = _take16(cv, zeros16 + 1)
            cz = _take16(cv, zeros16 + 2)

            def chunk(ch, off):
                px = planes_v[pl.ds(ch * 16, 16)]
                py = planes_v[pl.ds(N + ch * 16, 16)]
                pz = planes_v[pl.ds(2 * N + ch * 16, 16)]
                dx = cx - px
                dy = cy - py
                dz = cz - pz
                sx = dx * dx
                sy = dy * dy
                sz = dz * dz
                d = (sx + sy) + sz
                msk = d <= R2
                c = msk.astype(jnp.int32)
                for sh in (1, 2, 4, 8):
                    shifted = _take16(c, jnp.maximum(iota16 - sh, 0))
                    c = c + jnp.where(iota16 >= sh, shifted, 0)
                pos = jnp.minimum(c + (off - 1), jnp.int32(48))
                plsc.store_scatter(idxbuf_v, [pos], iota16 + ch * 16,
                                   mask=msk)
                return off + c[15]

            BLK = 8

            def blk_body(bi, off):
                def work(off):
                    base = bi * BLK
                    return lax.fori_loop(
                        0, BLK, lambda j, o: chunk(base + j, o), off)
                return lax.cond(off < K, work, lambda o: o, off)

            off = lax.fori_loop(0, (N // 16) // BLK, blk_body, jnp.int32(0))
            off = jnp.minimum(off, jnp.int32(K))
            v0 = idxbuf_v[pl.ds(0, 16)]
            v1 = idxbuf_v[pl.ds(16, 16)]
            first = _take16(v0, zeros16)
            offv = jnp.full((16,), off, jnp.int32)
            v0 = jnp.where(iota16 < offv, v0, first)
            v1 = jnp.where(iota16 + 16 < offv, v1, first)
            idx_ref[pl.ds(0, 16)] = v0 + base_pt
            idx_ref[pl.ds(16, 16)] = v1 + base_pt

        def out_view(i):
            return out_hbm.at[pl.ds((wid * CPW + i) * K, K)]

        def gstart(idx_ref, rows_ref, gsem):
            pltpu.async_copy(table_hbm.at[idx_ref], rows_ref, gsem)

        def gwait(idx_ref, rows_ref, gsem):
            pltpu.make_async_copy(table_hbm.at[idx_ref], rows_ref,
                                  gsem).wait()

        def ostart(rows_ref, i, osem):
            pltpu.async_copy(rows_ref, out_view(i), osem)

        def owait(rows_ref, i, osem):
            pltpu.make_async_copy(rows_ref, out_view(i), osem).wait()

        def pair(t, carry):
            i0 = 2 * t
            i1 = i0 + 1
            do_scan(i0, idx0)

            @pl.when(t > 0)
            def _():
                owait(rows0, i0 - 2, osem0)
            gstart(idx0, rows0, gsem0)

            @pl.when(t > 0)
            def _():
                gwait(idx1, rows1, gsem1)
                ostart(rows1, i0 - 1, osem1)

            do_scan(i1, idx1)

            @pl.when(t > 0)
            def _():
                owait(rows1, i1 - 2, osem1)
            gstart(idx1, rows1, gsem1)
            gwait(idx0, rows0, gsem0)
            ostart(rows0, i0, osem0)
            return carry

        lax.fori_loop(0, CPW // 2, pair, 0)
        gwait(idx1, rows1, gsem1)
        ostart(rows1, CPW - 1, osem1)
        owait(rows0, CPW - 2, osem0)
        owait(rows1, CPW - 1, osem1)

    return sck



_MLP_TILE = 64


def _mlp_body(g_ref, c_ref, w1_ref, b1_ref, w2_ref, b2_ref, w3_ref, b3_ref,
              o_ref):
    g = g_ref[...]
    c = c_ref[...]
    y = jnp.dot(g, w1_ref[...], preferred_element_type=jnp.float32)
    w1x = w1_ref[64:67, :]
    corr = (c[:, 0:1] * w1x[0:1, :] + c[:, 1:2] * w1x[1:2, :]
            + c[:, 2:3] * w1x[2:3, :])
    y = jax.nn.relu(y - corr + b1_ref[...])
    y = jax.nn.relu(jnp.dot(y, w2_ref[...], preferred_element_type=jnp.float32)
                    + b2_ref[...])
    y = jax.nn.relu(jnp.dot(y, w3_ref[...], preferred_element_type=jnp.float32)
                    + b3_ref[...])
    o_ref[...] = jnp.max(y.reshape(_MLP_TILE, K, 128), axis=1)


def _mlp(gathered, cexp, w1p, b1p, w2p, b2p, w3p, b3p):
    nsteps = (B * S) // _MLP_TILE
    rows = _MLP_TILE * K
    return pl.pallas_call(
        _mlp_body,
        grid=(nsteps,),
        in_specs=[
            pl.BlockSpec((rows, DPAD), lambda i: (i, 0)),
            pl.BlockSpec((rows, 3), lambda i: (i, 0)),
            pl.BlockSpec((DPAD, 64), lambda i: (0, 0)),
            pl.BlockSpec((1, 64), lambda i: (0, 0)),
            pl.BlockSpec((64, 64), lambda i: (0, 0)),
            pl.BlockSpec((1, 64), lambda i: (0, 0)),
            pl.BlockSpec((64, 128), lambda i: (0, 0)),
            pl.BlockSpec((1, 128), lambda i: (0, 0)),
        ],
        out_specs=pl.BlockSpec((_MLP_TILE, 128), lambda i: (i, 0)),
        out_shape=jax.ShapeDtypeStruct((B * S, 128), jnp.float32),
        compiler_params=pltpu.CompilerParams(
            dimension_semantics=("parallel",)),
    )(gathered, cexp, w1p, b1p, w2p, b2p, w3p, b3p)



def kernel(x, xyz, W1, b1, g1, be1, W2, b2, g2, be2, W3, b3, g3, be3):
    scale = np.float32(1.0 / np.sqrt(1.0 + 1e-3))
    w1f = W1 * (scale * g1)[None, :]
    w1p = jnp.zeros((DPAD, 64), jnp.float32).at[:67, :].set(w1f)
    b1p = (b1 * scale * g1 + be1)[None, :]
    w2p = W2 * (scale * g2)[None, :]
    b2p = (b2 * scale * g2 + be2)[None, :]
    w3p = W3 * (scale * g3)[None, :]
    b3p = (b3 * scale * g3 + be3)[None, :]

    planes = xyz.transpose(2, 0, 1)

    newSB3 = _fps(planes)
    new_xyz = newSB3.transpose(1, 0, 2)
    cT = jnp.pad(new_xyz, ((0, 0), (0, 0), (0, 13))).reshape(B, 16 * S)

    xyzT = xyz.transpose(0, 2, 1).reshape(B, 3 * N)
    table = jnp.concatenate(
        [x, xyz, jnp.zeros((B, N, DPAD - 67), jnp.float32)], axis=-1
    ).reshape(B * N, DPAD)

    gathered = _make_sc_gather()(xyzT, cT, table)

    cexp = jnp.repeat(new_xyz.reshape(B * S, 3), K, axis=0)
    pooled = _mlp(gathered, cexp, w1p, b1p, w2p, b2p, w3p, b3p)
    return (new_xyz, pooled.reshape(B, S, 128))

# --- scband reference (transcript-rebuilt; emitter-appended) ---
"""Pipeline reference for scband-point-net-sa-39213051413226 (READ-ONLY COPY).

The authoritative reference and input builder live on the scoring server;
editing this copy changes nothing except your own understanding.
"""

import jax, jax.numpy as jnp
import numpy as np

NPOINT = 512
NSAMPLE = 32
RADIUS = 0.2
EPS = 1e-3


def glorot(key, shape):
    fan_in, fan_out = shape
    return jax.random.normal(key, shape, dtype=jnp.float32) * np.sqrt(2.0 / (fan_in + fan_out))


def setup_inputs(seed: int = 0):
    key = jax.random.key(seed)
    ks = jax.random.split(key, 8)
    x = jax.random.normal(ks[0], (8, 4096, 64), dtype=jnp.float32)
    xyz = jax.random.uniform(ks[1], (8, 4096, 3), dtype=jnp.float32)
    dims = [67, 64, 64, 128]
    params = {}
    for i in range(3):
        params['W%d' % (i + 1)] = glorot(ks[2 + i], (dims[i], dims[i + 1]))
        params['b%d' % (i + 1)] = jnp.zeros((dims[i + 1],), dtype=jnp.float32)
        params['g%d' % (i + 1)] = jnp.ones((dims[i + 1],), dtype=jnp.float32)
        params['be%d' % (i + 1)] = jnp.zeros((dims[i + 1],), dtype=jnp.float32)
    out = {'x': x, 'xyz': xyz}
    out.update(params)
    return out


def farthest_point_sample(xyz, npoint):
    B, N, _ = xyz.shape

    def body(i, state):
        dist, far, idxs = state
        idxs = idxs.at[:, i].set(far)
        centroid = jnp.take_along_axis(xyz, far[:, None, None], axis=1)
        d = jnp.sum((xyz - centroid) ** 2, axis=-1)
        dist = jnp.minimum(dist, d)
        far = jnp.argmax(dist, axis=1).astype(jnp.int32)
        return (dist, far, idxs)

    dist = jnp.full((B, N), 1e10, dtype=xyz.dtype)
    far = jnp.zeros((B,), dtype=jnp.int32)
    idxs = jnp.zeros((B, npoint), dtype=jnp.int32)
    _, _, idxs = jax.lax.fori_loop(0, npoint, body, (dist, far, idxs))
    return idxs


def query_ball_point(radius, nsample, xyz, new_xyz):
    B, N, _ = xyz.shape
    S = new_xyz.shape[1]
    sqr = jnp.sum((new_xyz[:, :, None, :] - xyz[:, None, :, :]) ** 2, axis=-1)
    gi = jnp.broadcast_to(jnp.arange(N, dtype=jnp.int32), (B, S, N))
    gi = jnp.where(sqr > radius ** 2, N, gi)
    gi = jnp.sort(gi, axis=-1)[:, :, :nsample]
    first = gi[:, :, 0:1]
    mask = gi == N
    gi = jnp.where(mask, jnp.broadcast_to(first, gi.shape), gi)
    cnt = jnp.sum(sqr <= radius ** 2, axis=-1).astype(jnp.int32)
    return gi, cnt


def group_point(points, idx):
    return jnp.take_along_axis(points[:, None, :, :], idx[..., None], axis=2)


def smlp(x, W, b, g, be):
    y = jnp.einsum('bskc,cf->bskf', x, W) + b
    y = y / jnp.sqrt(1.0 + EPS)
    y = y * g + be
    return jax.nn.relu(y)


def reference(x, xyz, W1, b1, g1, be1, W2, b2, g2, be2, W3, b3, g3, be3):
    fps_idx = farthest_point_sample(xyz, NPOINT)
    new_xyz = jnp.take_along_axis(xyz, fps_idx[..., None], axis=1)
    idx, _cnt = query_ball_point(RADIUS, NSAMPLE, xyz, new_xyz)
    grouped_xyz = group_point(xyz, idx) - new_xyz[:, :, None, :]
    grouped_points = group_point(x, idx)
    new_points = jnp.concatenate([grouped_points, grouped_xyz], axis=-1)
    new_points = smlp(new_points, W1, b1, g1, be1)
    new_points = smlp(new_points, W2, b2, g2, be2)
    new_points = smlp(new_points, W3, b3, g3, be3)
    new_points = jnp.max(new_points, axis=2, keepdims=True)
    return (new_xyz, jnp.squeeze(new_points, axis=2))

if __name__ == "__main__":
    import jax
    _d = setup_inputs()
    print(jax.jit(kernel)(*tuple(_d.values())))

</pallas_src>

<mosaic_0001>
#map = affine_map<(d0, d1) -> (0, 0)>
module attributes {stable_mosaic.version = 14 : i64} {
  func.func @sck(%arg0: i32, %arg1: i32, %arg2: memref<8x12288xf32, #tpu.memory_space<hbm>>, %arg3: memref<8x8192xf32, #tpu.memory_space<hbm>>, %arg4: memref<32768x128xf32, #tpu.memory_space<hbm>>, %arg5: memref<131072x128xf32, #tpu.memory_space<hbm>>, %arg6: memref<12288xf32, #tpu.memory_space<vmem>>, %arg7: memref<8192xf32, #tpu.memory_space<vmem>>, %arg8: memref<64xi32, #tpu.memory_space<vmem>>, %arg9: memref<32xi32, #tpu.memory_space<vmem>>, %arg10: memref<32xi32, #tpu.memory_space<vmem>>, %arg11: memref<32x128xf32, #tpu.memory_space<vmem>>, %arg12: memref<32x128xf32, #tpu.memory_space<vmem>>, %arg13: memref<!tpu.dma_semaphore, #tpu.memory_space<semaphore_mem>>, %arg14: memref<!tpu.dma_semaphore, #tpu.memory_space<semaphore_mem>>, %arg15: memref<!tpu.dma_semaphore, #tpu.memory_space<semaphore_mem>>, %arg16: memref<!tpu.dma_semaphore, #tpu.memory_space<semaphore_mem>>) attributes {dimension_semantics = [#tpu.dimension_semantics<core_parallel>, #tpu.dimension_semantics<subcore_parallel>], iteration_bounds = array<i64: 2, 16>, scalar_prefetch = 0 : i64, scratch_operands = 11 : i64, tpu.core_type = #tpu.core_type<sc_vector_subcore>, window_params = [{transform_indices = #map}, {transform_indices = #map}, {transform_indices = #map}, {transform_indices = #map}]} {
    %mul3A = arith.constant 16 : i32
    %mul3A_0 = arith.muli %arg0, %mul3A : i32
    %add3A = arith.addi %mul3A_0, %arg1 : i32
    %jit3A = arith.constant 4 : i32
    %div3A = arith.divsi %add3A, %jit3A : i32
    %sign3A = arith.constant 0 : i32
    %sign3A_1 = arith.cmpi sgt, %add3A, %sign3A : i32
    %sign3A_2 = arith.extui %sign3A_1 : i1 to i32
    %sign3A_3 = arith.constant 0 : i32
    %sign3A_4 = arith.cmpi slt, %add3A, %sign3A_3 : i32
    %sign3A_5 = arith.extui %sign3A_4 : i1 to i32
    %sign3A_6 = arith.subi %sign3A_2, %sign3A_5 : i32
    %sign3A_7 = arith.constant 0 : i32
    %sign3A_8 = arith.cmpi sgt, %jit3A, %sign3A_7 : i32
    %sign3A_9 = arith.extui %sign3A_8 : i1 to i32
    %sign3A_10 = arith.constant 0 : i32
    %sign3A_11 = arith.cmpi slt, %jit3A, %sign3A_10 : i32
    %sign3A_12 = arith.extui %sign3A_11 : i1 to i32
    %sign3A_13 = arith.subi %sign3A_9, %sign3A_12 : i32
    %ne3A = arith.cmpi ne, %sign3A_6, %sign3A_13 : i32
    %rem3A = arith.remsi %add3A, %jit3A : i32
    %ne3A_14 = arith.constant 0 : i32
    %ne3A_15 = arith.cmpi ne, %rem3A, %ne3A_14 : i32
    %and3A = arith.andi %ne3A, %ne3A_15 : i1
    %sub3A = arith.constant 1 : i32
    %sub3A_16 = arith.subi %div3A, %sub3A : i32
    %select_n3A = arith.select %and3A, %sub3A_16, %div3A : i32
    %jit3A_17 = arith.constant 4 : i32
    %eq3A = arith.constant 0 : i32
    %eq3A_18 = arith.cmpi eq, %jit3A_17, %eq3A : i32
    %jit3A_19 = arith.constant 1 : i32
    %select_n3A_20 = arith.select %eq3A_18, %jit3A_19, %jit3A_17 : i32
    %rem3A_21 = arith.remsi %add3A, %select_n3A_20 : i32
    %ne3A_22 = arith.constant 0 : i32
    %ne3A_23 = arith.cmpi ne, %rem3A_21, %ne3A_22 : i32
    %lt3A = arith.constant 0 : i32
    %lt3A_24 = arith.cmpi slt, %rem3A_21, %lt3A : i32
    %lt3A_25 = arith.constant 0 : i32
    %lt3A_26 = arith.cmpi slt, %select_n3A_20, %lt3A_25 : i32
    %ne3A_27 = arith.xori %lt3A_24, %lt3A_26 : i1
    %and3A_28 = arith.andi %ne3A_27, %ne3A_23 : i1
    %add3A_29 = arith.addi %rem3A_21, %select_n3A_20 : i32
    %select_n3A_30 = arith.select %and3A_28, %add3A_29, %rem3A_21 : i32
    "tpu.region"() ({
      %run_scoped3A = tpu.sem_alloc : memref<!tpu.dma_semaphore, #tpu.memory_space<semaphore_mem>>
      %dma_start3A_70 = arith.constant 0 : i32
      %dma_start3A_71 = tpu.memref_slice %arg2[%select_n3A, %dma_start3A_70] : memref<8x12288xf32, #tpu.memory_space<hbm>> -> memref<1x12288xf32, #tpu.memory_space<hbm>>
      %dma_start3A_72 = tpu.memref_squeeze %dma_start3A_71 : memref<1x12288xf32, #tpu.memory_space<hbm>> -> memref<12288xf32, #tpu.memory_space<hbm>>
      %dma_start3A_73 = arith.constant 0 : i32
      %dma_start3A_74 = tpu.memref_slice %arg2[%select_n3A, %dma_start3A_73] : memref<8x12288xf32, #tpu.memory_space<hbm>> -> memref<1x12288xf32, #tpu.memory_space<hbm>>
      %dma_start3A_75 = tpu.memref_squeeze %dma_start3A_74 : memref<1x12288xf32, #tpu.memory_space<hbm>> -> memref<12288xf32, #tpu.memory_space<hbm>>
      tpu.enqueue_dma source(%dma_start3A_75 : memref<12288xf32, #tpu.memory_space<hbm>>) target(%arg6 : memref<12288xf32, #tpu.memory_space<vmem>>) target_semaphore(%run_scoped3A : memref<!tpu.dma_semaphore, #tpu.memory_space<semaphore_mem>>)
      %dma_wait3A_76 = arith.constant 0 : i32
      %dma_wait3A_77 = tpu.memref_slice %arg2[%select_n3A, %dma_wait3A_76] : memref<8x12288xf32, #tpu.memory_space<hbm>> -> memref<1x12288xf32, #tpu.memory_space<hbm>>
      %dma_wait3A_78 = tpu.memref_squeeze %dma_wait3A_77 : memref<1x12288xf32, #tpu.memory_space<hbm>> -> memref<12288xf32, #tpu.memory_space<hbm>>
      %dma_wait3A_79 = arith.constant 0 : i32
      %dma_wait3A_80 = tpu.memref_slice %arg2[%select_n3A, %dma_wait3A_79] : memref<8x12288xf32, #tpu.memory_space<hbm>> -> memref<1x12288xf32, #tpu.memory_space<hbm>>
      %dma_wait3A_81 = tpu.memref_squeeze %dma_wait3A_80 : memref<1x12288xf32, #tpu.memory_space<hbm>> -> memref<12288xf32, #tpu.memory_space<hbm>>
      tpu.wait_dma2 semaphore(%run_scoped3A : memref<!tpu.dma_semaphore, #tpu.memory_space<semaphore_mem>>) src(%dma_wait3A_81 : memref<12288xf32, #tpu.memory_space<hbm>>) dst(%arg6 : memref<12288xf32, #tpu.memory_space<vmem>>)
      tpu.yield
    }) : () -> ()
    "tpu.region"() ({
      %run_scoped3A = tpu.sem_alloc : memref<!tpu.dma_semaphore, #tpu.memory_space<semaphore_mem>>
      %dma_start3A_70 = arith.constant 0 : i32
      %dma_start3A_71 = tpu.memref_slice %arg3[%select_n3A, %dma_start3A_70] : memref<8x8192xf32, #tpu.memory_space<hbm>> -> memref<1x8192xf32, #tpu.memory_space<hbm>>
      %dma_start3A_72 = tpu.memref_squeeze %dma_start3A_71 : memref<1x8192xf32, #tpu.memory_space<hbm>> -> memref<8192xf32, #tpu.memory_space<hbm>>
      %dma_start3A_73 = arith.constant 0 : i32
      %dma_start3A_74 = tpu.memref_slice %arg3[%select_n3A, %dma_start3A_73] : memref<8x8192xf32, #tpu.memory_space<hbm>> -> memref<1x8192xf32, #tpu.memory_space<hbm>>
      %dma_start3A_75 = tpu.memref_squeeze %dma_start3A_74 : memref<1x8192xf32, #tpu.memory_space<hbm>> -> memref<8192xf32, #tpu.memory_space<hbm>>
      tpu.enqueue_dma source(%dma_start3A_75 : memref<8192xf32, #tpu.memory_space<hbm>>) target(%arg7 : memref<8192xf32, #tpu.memory_space<vmem>>) target_semaphore(%run_scoped3A : memref<!tpu.dma_semaphore, #tpu.memory_space<semaphore_mem>>)
      %dma_wait3A_76 = arith.constant 0 : i32
      %dma_wait3A_77 = tpu.memref_slice %arg3[%select_n3A, %dma_wait3A_76] : memref<8x8192xf32, #tpu.memory_space<hbm>> -> memref<1x8192xf32, #tpu.memory_space<hbm>>
      %dma_wait3A_78 = tpu.memref_squeeze %dma_wait3A_77 : memref<1x8192xf32, #tpu.memory_space<hbm>> -> memref<8192xf32, #tpu.memory_space<hbm>>
      %dma_wait3A_79 = arith.constant 0 : i32
      %dma_wait3A_80 = tpu.memref_slice %arg3[%select_n3A, %dma_wait3A_79] : memref<8x8192xf32, #tpu.memory_space<hbm>> -> memref<1x8192xf32, #tpu.memory_space<hbm>>
      %dma_wait3A_81 = tpu.memref_squeeze %dma_wait3A_80 : memref<1x8192xf32, #tpu.memory_space<hbm>> -> memref<8192xf32, #tpu.memory_space<hbm>>
      tpu.wait_dma2 semaphore(%run_scoped3A : memref<!tpu.dma_semaphore, #tpu.memory_space<semaphore_mem>>) src(%dma_wait3A_81 : memref<8192xf32, #tpu.memory_space<hbm>>) dst(%arg7 : memref<8192xf32, #tpu.memory_space<vmem>>)
      tpu.yield
    }) : () -> ()
    %iota3A = tpu.iota {dimensions = array<i32: 0>} : vector<16xi32>
    %broadcast_in_dim3A = arith.constant 0 : i32
    %broadcast_in_dim3A_31 = vector.broadcast %broadcast_in_dim3A : i32 to vector<16xi32>
    %mul3A_32 = arith.constant 4096 : i32
    %mul3A_33 = arith.muli %select_n3A, %mul3A_32 : i32
    %scan3A = arith.constant 0 : i32
    %scan3A_34 = arith.constant 0 : i32
    %scan3A_35 = arith.constant 64 : i32
    %scan3A_36 = arith.addi %scan3A_34, %scan3A_35 : i32
    %scan3A_37 = arith.constant 1 : i32
    scf.for %scan3A_70 = %scan3A_34 to %scan3A_36 step %scan3A_37  : i32 {
      %mul3A_71 = arith.constant 2 : i32
      %mul3A_72 = arith.muli %mul3A_71, %scan3A_70 : i32
      %add3A_73 = arith.constant 1 : i32
      %add3A_74 = arith.addi %mul3A_72, %add3A_73 : i32
      %mul3A_75 = arith.constant 128 : i32
      %mul3A_76 = arith.muli %select_n3A_30, %mul3A_75 : i32
      %add3A_77 = arith.addi %mul3A_76, %mul3A_72 : i32
      %mul3A_78 = arith.constant 16 : i32
      %mul3A_79 = arith.muli %add3A_77, %mul3A_78 : i32
      %get3A = arith.index_cast %mul3A_79 : i32 to index
      %get3A_80 = tpu.vector_load %arg7[%get3A] {strides = array<i32>} : memref<8192xf32, #tpu.memory_space<vmem>>, vector<16xf32>,
      %broadcast_in_dim3A_81 = vector.shape_cast %broadcast_in_dim3A_31 : vector<16xi32> to vector<16x1xi32>
      %gather3A = vector.shape_cast %broadcast_in_dim3A_81 : vector<16x1xi32> to vector<16xi32>
      %gather3A_82 = tpu.dynamic_gather %get3A_80[%gather3A] in [0] : vector<16xf32>, vector<16xi32> -> vector<16xf32>
      %add3A_83 = arith.constant 1 : i32
      %add3A_84 = vector.broadcast %add3A_83 : i32 to vector<16xi32>
      %add3A_85 = arith.addi %broadcast_in_dim3A_31, %add3A_84 : vector<16xi32>
      %broadcast_in_dim3A_86 = vector.shape_cast %add3A_85 : vector<16xi32> to vector<16x1xi32>
      %gather3A_87 = vector.shape_cast %broadcast_in_dim3A_86 : vector<16x1xi32> to vector<16xi32>
      %gather3A_88 = tpu.dynamic_gather %get3A_80[%gather3A_87] in [0] : vector<16xf32>, vector<16xi32> -> vector<16xf32>
      %add3A_89 = arith.constant 2 : i32
      %add3A_90 = vector.broadcast %add3A_89 : i32 to vector<16xi32>
      %add3A_91 = arith.addi %broadcast_in_dim3A_31, %add3A_90 : vector<16xi32>
      %broadcast_in_dim3A_92 = vector.shape_cast %add3A_91 : vector<16xi32> to vector<16x1xi32>
      %gather3A_93 = vector.shape_cast %broadcast_in_dim3A_92 : vector<16x1xi32> to vector<16xi32>
      %gather3A_94 = tpu.dynamic_gather %get3A_80[%gather3A_93] in [0] : vector<16xf32>, vector<16xi32> -> vector<16xf32>
      %scan3A_95 = arith.constant 0 : i32
      %scan3A_96 = arith.constant 0 : i32
      %scan3A_97 = arith.constant 32 : i32
      %scan3A_98 = arith.addi %scan3A_96, %scan3A_97 : i32
      %scan3A_99 = arith.constant 1 : i32
      %scan3A_100 = scf.for %scan3A_209 = %scan3A_96 to %scan3A_98 step %scan3A_99 iter_args(%scan3A_210 = %scan3A_95) -> (i32)  : i32 {
        %lt3A_211 = arith.constant 32 : i32
        %lt3A_212 = arith.cmpi slt, %scan3A_210, %lt3A_211 : i32
        %convert_element_type3A_213 = arith.extui %lt3A_212 : i1 to i32
        %cond3A_214 = arith.constant 0 : i32
        %cond3A_215 = arith.cmpi ne, %convert_element_type3A_213, %cond3A_214 : i32
        %cond3A_216 = scf.if %cond3A_215 -> (i32) {
          %mul3A_217 = arith.constant 8 : i32
          %mul3A_218 = arith.muli %scan3A_209, %mul3A_217 : i32
          %scan3A_219 = arith.constant 0 : i32
          %scan3A_220 = arith.constant 8 : i32
          %scan3A_221 = arith.addi %scan3A_219, %scan3A_220 : i32
          %scan3A_222 = arith.constant 1 : i32
          %scan3A_223 = scf.for %scan3A_225 = %scan3A_219 to %scan3A_221 step %scan3A_222 iter_args(%scan3A_226 = %scan3A_210) -> (i32)  : i32 {
            %add3A_227 = arith.addi %mul3A_218, %scan3A_225 : i32
            %mul3A_228 = arith.constant 16 : i32
            %mul3A_229 = arith.muli %add3A_227, %mul3A_228 : i32
            %get3A_230 = arith.index_cast %mul3A_229 : i32 to index
            %get3A_231 = tpu.vector_load %arg6[%get3A_230] {strides = array<i32>} : memref<12288xf32, #tpu.memory_space<vmem>>, vector<16xf32>,
            %mul3A_232 = arith.constant 16 : i32
            %mul3A_233 = arith.muli %add3A_227, %mul3A_232 : i32
            %add3A_234 = arith.constant 4096 : i32
            %add3A_235 = arith.addi %add3A_234, %mul3A_233 : i32
            %get3A_236 = arith.index_cast %add3A_235 : i32 to index
            %get3A_237 = tpu.vector_load %arg6[%get3A_236] {strides = array<i32>} : memref<12288xf32, #tpu.memory_space<vmem>>, vector<16xf32>,
            %mul3A_238 = arith.constant 16 : i32
            %mul3A_239 = arith.muli %add3A_227, %mul3A_238 : i32
            %add3A_240 = arith.constant 8192 : i32
            %add3A_241 = arith.addi %add3A_240, %mul3A_239 : i32
            %get3A_242 = arith.index_cast %add3A_241 : i32 to index
            %get3A_243 = tpu.vector_load %arg6[%get3A_242] {strides = array<i32>} : memref<12288xf32, #tpu.memory_space<vmem>>, vector<16xf32>,
            %sub3A_244 = arith.subf %gather3A_82, %get3A_231 : vector<16xf32>
            %sub3A_245 = arith.subf %gather3A_88, %get3A_237 : vector<16xf32>
            %sub3A_246 = arith.subf %gather3A_94, %get3A_243 : vector<16xf32>
            %mul3A_247 = arith.mulf %sub3A_244, %sub3A_244 : vector<16xf32>
            %mul3A_248 = arith.mulf %sub3A_245, %sub3A_245 : vector<16xf32>
            %mul3A_249 = arith.mulf %sub3A_246, %sub3A_246 : vector<16xf32>
            %add3A_250 = arith.addf %mul3A_247, %mul3A_248 : vector<16xf32>
            %add3A_251 = arith.addf %add3A_250, %mul3A_249 : vector<16xf32>
            %le3A = arith.constant 4.000000e-02 : f32
            %le3A_252 = vector.broadcast %le3A : f32 to vector<16xf32>
            %le3A_253 = arith.cmpf ole, %add3A_251, %le3A_252 : vector<16xf32>
            %convert_element_type3A_254 = arith.extui %le3A_253 : vector<16xi1> to vector<16xi32>
            %sub3A_255 = arith.constant 1 : i32
            %sub3A_256 = vector.broadcast %sub3A_255 : i32 to vector<16xi32>
            %sub3A_257 = arith.subi %iota3A, %sub3A_256 : vector<16xi32>
            %max3A = arith.constant 0 : i32
            %max3A_258 = vector.broadcast %max3A : i32 to vector<16xi32>
            %max3A_259 = arith.maxsi %sub3A_257, %max3A_258 : vector<16xi32>
            %broadcast_in_dim3A_260 = vector.shape_cast %max3A_259 : vector<16xi32> to vector<16x1xi32>
            %gather3A_261 = vector.shape_cast %broadcast_in_dim3A_260 : vector<16x1xi32> to vector<16xi32>
            %gather3A_262 = tpu.dynamic_gather %convert_element_type3A_254[%gather3A_261] in [0] : vector<16xi32>, vector<16xi32> -> vector<16xi32>
            %ge3A = arith.constant 1 : i32
            %ge3A_263 = vector.broadcast %ge3A : i32 to vector<16xi32>
            %ge3A_264 = arith.cmpi sge, %iota3A, %ge3A_263 : vector<16xi32>
            %jit3A_265 = arith.constant 0 : i32
            %broadcast_in_dim3A_266 = vector.broadcast %jit3A_265 : i32 to vector<16xi32>
            %select_n3A_267 = arith.select %ge3A_264, %gather3A_262, %broadcast_in_dim3A_266 : vector<16xi1>, vector<16xi32>
            %add3A_268 = arith.addi %convert_element_type3A_254, %select_n3A_267 : vector<16xi32>
            %sub3A_269 = arith.constant 2 : i32
            %sub3A_270 = vector.broadcast %sub3A_269 : i32 to vector<16xi32>
            %sub3A_271 = arith.subi %iota3A, %sub3A_270 : vector<16xi32>
            %max3A_272 = arith.constant 0 : i32
            %max3A_273 = vector.broadcast %max3A_272 : i32 to vector<16xi32>
            %max3A_274 = arith.maxsi %sub3A_271, %max3A_273 : vector<16xi32>
            %broadcast_in_dim3A_275 = vector.shape_cast %max3A_274 : vector<16xi32> to vector<16x1xi32>
            %gather3A_276 = vector.shape_cast %broadcast_in_dim3A_275 : vector<16x1xi32> to vector<16xi32>
            %gather3A_277 = tpu.dynamic_gather %add3A_268[%gather3A_276] in [0] : vector<16xi32>, vector<16xi32> -> vector<16xi32>
            %ge3A_278 = arith.constant 2 : i32
            %ge3A_279 = vector.broadcast %ge3A_278 : i32 to vector<16xi32>
            %ge3A_280 = arith.cmpi sge, %iota3A, %ge3A_279 : vector<16xi32>
            %jit3A_281 = arith.constant 0 : i32
            %broadcast_in_dim3A_282 = vector.broadcast %jit3A_281 : i32 to vector<16xi32>
            %select_n3A_283 = arith.select %ge3A_280, %gather3A_277, %broadcast_in_dim3A_282 : vector<16xi1>, vector<16xi32>
            %add3A_284 = arith.addi %add3A_268, %select_n3A_283 : vector<16xi32>
            %sub3A_285 = arith.constant 4 : i32
            %sub3A_286 = vector.broadcast %sub3A_285 : i32 to vector<16xi32>
            %sub3A_287 = arith.subi %iota3A, %sub3A_286 : vector<16xi32>
            %max3A_288 = arith.constant 0 : i32
            %max3A_289 = vector.broadcast %max3A_288 : i32 to vector<16xi32>
            %max3A_290 = arith.maxsi %sub3A_287, %max3A_289 : vector<16xi32>
            %broadcast_in_dim3A_291 = vector.shape_cast %max3A_290 : vector<16xi32> to vector<16x1xi32>
            %gather3A_292 = vector.shape_cast %broadcast_in_dim3A_291 : vector<16x1xi32> to vector<16xi32>
            %gather3A_293 = tpu.dynamic_gather %add3A_284[%gather3A_292] in [0] : vector<16xi32>, vector<16xi32> -> vector<16xi32>
            %ge3A_294 = arith.constant 4 : i32
            %ge3A_295 = vector.broadcast %ge3A_294 : i32 to vector<16xi32>
            %ge3A_296 = arith.cmpi sge, %iota3A, %ge3A_295 : vector<16xi32>
            %jit3A_297 = arith.constant 0 : i32
            %broadcast_in_dim3A_298 = vector.broadcast %jit3A_297 : i32 to vector<16xi32>
            %select_n3A_299 = arith.select %ge3A_296, %gather3A_293, %broadcast_in_dim3A_298 : vector<16xi1>, vector<16xi32>
            %add3A_300 = arith.addi %add3A_284, %select_n3A_299 : vector<16xi32>
            %sub3A_301 = arith.constant 8 : i32
            %sub3A_302 = vector.broadcast %sub3A_301 : i32 to vector<16xi32>
            %sub3A_303 = arith.subi %iota3A, %sub3A_302 : vector<16xi32>
            %max3A_304 = arith.constant 0 : i32
            %max3A_305 = vector.broadcast %max3A_304 : i32 to vector<16xi32>
            %max3A_306 = arith.maxsi %sub3A_303, %max3A_305 : vector<16xi32>
            %broadcast_in_dim3A_307 = vector.shape_cast %max3A_306 : vector<16xi32> to vector<16x1xi32>
            %gather3A_308 = vector.shape_cast %broadcast_in_dim3A_307 : vector<16x1xi32> to vector<16xi32>
            %gather3A_309 = tpu.dynamic_gather %add3A_300[%gather3A_308] in [0] : vector<16xi32>, vector<16xi32> -> vector<16xi32>
            %ge3A_310 = arith.constant 8 : i32
            %ge3A_311 = vector.broadcast %ge3A_310 : i32 to vector<16xi32>
            %ge3A_312 = arith.cmpi sge, %iota3A, %ge3A_311 : vector<16xi32>
            %jit3A_313 = arith.constant 0 : i32
            %broadcast_in_dim3A_314 = vector.broadcast %jit3A_313 : i32 to vector<16xi32>
            %select_n3A_315 = arith.select %ge3A_312, %gather3A_309, %broadcast_in_dim3A_314 : vector<16xi1>, vector<16xi32>
            %add3A_316 = arith.addi %add3A_300, %select_n3A_315 : vector<16xi32>
            %sub3A_317 = arith.constant 1 : i32
            %sub3A_318 = arith.subi %scan3A_226, %sub3A_317 : i32
            %add3A_319 = vector.broadcast %sub3A_318 : i32 to vector<16xi32>
            %add3A_320 = arith.addi %add3A_316, %add3A_319 : vector<16xi32>
            %min3A_321 = arith.constant 48 : i32
            %min3A_322 = vector.broadcast %min3A_321 : i32 to vector<16xi32>
            %min3A_323 = arith.minsi %add3A_320, %min3A_322 : vector<16xi32>
            %mul3A_324 = arith.constant 16 : i32
            %mul3A_325 = arith.muli %add3A_227, %mul3A_324 : i32
            %add3A_326 = vector.broadcast %mul3A_325 : i32 to vector<16xi32>
            %add3A_327 = arith.addi %iota3A, %add3A_326 : vector<16xi32>
            tpu.vector_store_idx %arg8[%min3A_323], %add3A_327 masked %le3A_253 : memref<64xi32, #tpu.memory_space<vmem>>[vector<16xi32>], vector<16xi32>, vector<16xi1>
            %slice3A = vector.extract_strided_slice %add3A_316 {offsets = [15], sizes = [1], strides = [1]} : vector<16xi32> to vector<1xi32>
            %squeeze3A = vector.extract %slice3A[0] : i32 from vector<1xi32>
            %add3A_328 = arith.addi %scan3A_226, %squeeze3A : i32
            scf.yield %add3A_328 : i32
          }
          %scan3A_224 = arith.constant 8 : i32
          scf.yield %scan3A_223 : i32
        } else {
          scf.yield %scan3A_210 : i32
        }
        scf.yield %cond3A_216 : i32
      }
      %scan3A_101 = arith.constant 32 : i32
      %min3A = arith.constant 32 : i32
      %min3A_102 = arith.minsi %scan3A_100, %min3A : i32
      %get3A_103 = arith.constant 0 : index
      %get3A_104 = tpu.vector_load %arg8[%get3A_103] {strides = array<i32>} : memref<64xi32, #tpu.memory_space<vmem>>, vector<16xi32>,
      %get3A_105 = arith.constant 16 : index
      %get3A_106 = tpu.vector_load %arg8[%get3A_105] {strides = array<i32>} : memref<64xi32, #tpu.memory_space<vmem>>, vector<16xi32>,
      %broadcast_in_dim3A_107 = vector.shape_cast %broadcast_in_dim3A_31 : vector<16xi32> to vector<16x1xi32>
      %gather3A_108 = vector.shape_cast %broadcast_in_dim3A_107 : vector<16x1xi32> to vector<16xi32>
      %gather3A_109 = tpu.dynamic_gather %get3A_104[%gather3A_108] in [0] : vector<16xi32>, vector<16xi32> -> vector<16xi32>
      %broadcast_in_dim3A_110 = vector.broadcast %min3A_102 : i32 to vector<16xi32>
      %lt3A_111 = arith.cmpi slt, %iota3A, %broadcast_in_dim3A_110 : vector<16xi32>
      %select_n3A_112 = arith.select %lt3A_111, %get3A_104, %gather3A_109 : vector<16xi1>, vector<16xi32>
      %add3A_113 = arith.constant 16 : i32
      %add3A_114 = vector.broadcast %add3A_113 : i32 to vector<16xi32>
      %add3A_115 = arith.addi %iota3A, %add3A_114 : vector<16xi32>
      %lt3A_116 = arith.cmpi slt, %add3A_115, %broadcast_in_dim3A_110 : vector<16xi32>
      %select_n3A_117 = arith.select %lt3A_116, %get3A_106, %gather3A_109 : vector<16xi1>, vector<16xi32>
      %add3A_118 = vector.broadcast %mul3A_33 : i32 to vector<16xi32>
      %add3A_119 = arith.addi %select_n3A_112, %add3A_118 : vector<16xi32>
      %swap3A = arith.constant 0 : index
      %swap3A_120 = tpu.vector_load %arg9[%swap3A] {strides = array<i32>} : memref<32xi32, #tpu.memory_space<vmem>>, vector<16xi32>,
      tpu.vector_store %arg9[%swap3A], %add3A_119 {strides = array<i32>} : memref<32xi32, #tpu.memory_space<vmem>>, vector<16xi32>,
      %add3A_121 = vector.broadcast %mul3A_33 : i32 to vector<16xi32>
      %add3A_122 = arith.addi %select_n3A_117, %add3A_121 : vector<16xi32>
      %swap3A_123 = arith.constant 16 : index
      %swap3A_124 = tpu.vector_load %arg9[%swap3A_123] {strides = array<i32>} : memref<32xi32, #tpu.memory_space<vmem>>, vector<16xi32>,
      tpu.vector_store %arg9[%swap3A_123], %add3A_122 {strides = array<i32>} : memref<32xi32, #tpu.memory_space<vmem>>, vector<16xi32>,
      %gt3A = arith.constant 0 : i32
      %gt3A_125 = arith.cmpi sgt, %scan3A_70, %gt3A : i32
      %convert_element_type3A = arith.extui %gt3A_125 : i1 to i32
      %cond3A = arith.constant 0 : i32
      %cond3A_126 = arith.cmpi ne, %convert_element_type3A, %cond3A : i32
      scf.if %cond3A_126 {
        %sub3A_209 = arith.constant 2 : i32
        %sub3A_210 = arith.subi %mul3A_72, %sub3A_209 : i32
        %mul3A_211 = arith.constant 128 : i32
        %mul3A_212 = arith.muli %add3A, %mul3A_211 : i32
        %add3A_213 = arith.addi %mul3A_212, %sub3A_210 : i32
        %mul3A_214 = arith.constant 32 : i32
        %mul3A_215 = arith.muli %add3A_213, %mul3A_214 : i32
        %dma_wait3A_216 = arith.constant 0 : i32
        %dma_wait3A_217 = tpu.memref_slice %arg5[%mul3A_215, %dma_wait3A_216] : memref<131072x128xf32, #tpu.memory_space<hbm>> -> memref<32x128xf32, #tpu.memory_space<hbm>>
        %dma_wait3A_218 = arith.constant 0 : i32
        %dma_wait3A_219 = tpu.memref_slice %arg5[%mul3A_215, %dma_wait3A_218] : memref<131072x128xf32, #tpu.memory_space<hbm>> -> memref<32x128xf32, #tpu.memory_space<hbm>>
        tpu.wait_dma2 semaphore(%arg15 : memref<!tpu.dma_semaphore, #tpu.memory_space<semaphore_mem>>) src(%arg11 : memref<32x128xf32, #tpu.memory_space<vmem>>) dst(%dma_wait3A_219 : memref<32x128xf32, #tpu.memory_space<hbm>>)
      } else {
      }
      %dma_start3A_127 = arith.constant 0 : i32
      %dma_start3A_128 = arith.constant 0 : i32
      %dma_start3A_129 = tpu.memref_slice %arg4[%dma_start3A_127, %dma_start3A_128] : memref<32768x128xf32, #tpu.memory_space<hbm>> -> memref<32768x128xf32, #tpu.memory_space<hbm>>
      tpu.enqueue_indirect_dma source(%dma_start3A_129 : memref<32768x128xf32, #tpu.memory_space<hbm>>) target(%arg11 : memref<32x128xf32, #tpu.memory_space<vmem>>) offsets(%arg9 : memref<32xi32, #tpu.memory_space<vmem>>) semaphore(%arg13 : memref<!tpu.dma_semaphore, #tpu.memory_space<semaphore_mem>>)
      %gt3A_130 = arith.constant 0 : i32
      %gt3A_131 = arith.cmpi sgt, %scan3A_70, %gt3A_130 : i32
      %convert_element_type3A_132 = arith.extui %gt3A_131 : i1 to i32
      %cond3A_133 = arith.constant 0 : i32
      %cond3A_134 = arith.cmpi ne, %convert_element_type3A_132, %cond3A_133 : i32
      scf.if %cond3A_134 {
        %dma_wait3A_209 = arith.constant 0 : i32
        %dma_wait3A_210 = arith.constant 0 : i32
        %dma_wait3A_211 = tpu.memref_slice %arg4[%dma_wait3A_209, %dma_wait3A_210] : memref<32768x128xf32, #tpu.memory_space<hbm>> -> memref<32768x128xf32, #tpu.memory_space<hbm>>
        tpu.wait_indirect_dma semaphore(%arg14 : memref<!tpu.dma_semaphore, #tpu.memory_space<semaphore_mem>>) src(%dma_wait3A_211 : memref<32768x128xf32, #tpu.memory_space<hbm>>) dst(%arg12 : memref<32x128xf32, #tpu.memory_space<vmem>>)
        %sub3A_212 = arith.constant 1 : i32
        %sub3A_213 = arith.subi %mul3A_72, %sub3A_212 : i32
        %mul3A_214 = arith.constant 128 : i32
        %mul3A_215 = arith.muli %add3A, %mul3A_214 : i32
        %add3A_216 = arith.addi %mul3A_215, %sub3A_213 : i32
        %mul3A_217 = arith.constant 32 : i32
        %mul3A_218 = arith.muli %add3A_216, %mul3A_217 : i32
        %dma_start3A_219 = arith.constant 0 : i32
        %dma_start3A_220 = tpu.memref_slice %arg5[%mul3A_218, %dma_start3A_219] : memref<131072x128xf32, #tpu.memory_space<hbm>> -> memref<32x128xf32, #tpu.memory_space<hbm>>
        %dma_start3A_221 = arith.constant 0 : i32
        %dma_start3A_222 = tpu.memref_slice %arg5[%mul3A_218, %dma_start3A_221] : memref<131072x128xf32, #tpu.memory_space<hbm>> -> memref<32x128xf32, #tpu.memory_space<hbm>>
        tpu.enqueue_dma source(%arg12 : memref<32x128xf32, #tpu.memory_space<vmem>>) target(%dma_start3A_222 : memref<32x128xf32, #tpu.memory_space<hbm>>) target_semaphore(%arg16 : memref<!tpu.dma_semaphore, #tpu.memory_space<semaphore_mem>>)
      } else {
      }
      %mul3A_135 = arith.constant 128 : i32
      %mul3A_136 = arith.muli %select_n3A_30, %mul3A_135 : i32
      %add3A_137 = arith.addi %mul3A_136, %add3A_74 : i32
      %mul3A_138 = arith.constant 16 : i32
      %mul3A_139 = arith.muli %add3A_137, %mul3A_138 : i32
      %get3A_140 = arith.index_cast %mul3A_139 : i32 to index
      %get3A_141 = tpu.vector_load %arg7[%get3A_140] {strides = array<i32>} : memref<8192xf32, #tpu.memory_space<vmem>>, vector<16xf32>,
      %broadcast_in_dim3A_142 = vector.shape_cast %broadcast_in_dim3A_31 : vector<16xi32> to vector<16x1xi32>
      %gather3A_143 = vector.shape_cast %broadcast_in_dim3A_142 : vector<16x1xi32> to vector<16xi32>
      %gather3A_144 = tpu.dynamic_gather %get3A_141[%gather3A_143] in [0] : vector<16xf32>, vector<16xi32> -> vector<16xf32>
      %add3A_145 = arith.constant 1 : i32
      %add3A_146 = vector.broadcast %add3A_145 : i32 to vector<16xi32>
      %add3A_147 = arith.addi %broadcast_in_dim3A_31, %add3A_146 : vector<16xi32>
      %broadcast_in_dim3A_148 = vector.shape_cast %add3A_147 : vector<16xi32> to vector<16x1xi32>
      %gather3A_149 = vector.shape_cast %broadcast_in_dim3A_148 : vector<16x1xi32> to vector<16xi32>
      %gather3A_150 = tpu.dynamic_gather %get3A_141[%gather3A_149] in [0] : vector<16xf32>, vector<16xi32> -> vector<16xf32>
      %add3A_151 = arith.constant 2 : i32
      %add3A_152 = vector.broadcast %add3A_151 : i32 to vector<16xi32>
      %add3A_153 = arith.addi %broadcast_in_dim3A_31, %add3A_152 : vector<16xi32>
      %broadcast_in_dim3A_154 = vector.shape_cast %add3A_153 : vector<16xi32> to vector<16x1xi32>
      %gather3A_155 = vector.shape_cast %broadcast_in_dim3A_154 : vector<16x1xi32> to vector<16xi32>
      %gather3A_156 = tpu.dynamic_gather %get3A_141[%gather3A_155] in [0] : vector<16xf32>, vector<16xi32> -> vector<16xf32>
      %scan3A_157 = arith.constant 0 : i32
      %scan3A_158 = arith.constant 0 : i32
      %scan3A_159 = arith.constant 32 : i32
      %scan3A_160 = arith.addi %scan3A_158, %scan3A_159 : i32
      %scan3A_161 = arith.constant 1 : i32
      %scan3A_162 = scf.for %scan3A_209 = %scan3A_158 to %scan3A_160 step %scan3A_161 iter_args(%scan3A_210 = %scan3A_157) -> (i32)  : i32 {
        %lt3A_211 = arith.constant 32 : i32
        %lt3A_212 = arith.cmpi slt, %scan3A_210, %lt3A_211 : i32
        %convert_element_type3A_213 = arith.extui %lt3A_212 : i1 to i32
        %cond3A_214 = arith.constant 0 : i32
        %cond3A_215 = arith.cmpi ne, %convert_element_type3A_213, %cond3A_214 : i32
        %cond3A_216 = scf.if %cond3A_215 -> (i32) {
          %mul3A_217 = arith.constant 8 : i32
          %mul3A_218 = arith.muli %scan3A_209, %mul3A_217 : i32
          %scan3A_219 = arith.constant 0 : i32
          %scan3A_220 = arith.constant 8 : i32
          %scan3A_221 = arith.addi %scan3A_219, %scan3A_220 : i32
          %scan3A_222 = arith.constant 1 : i32
          %scan3A_223 = scf.for %scan3A_225 = %scan3A_219 to %scan3A_221 step %scan3A_222 iter_args(%scan3A_226 = %scan3A_210) -> (i32)  : i32 {
            %add3A_227 = arith.addi %mul3A_218, %scan3A_225 : i32
            %mul3A_228 = arith.constant 16 : i32
            %mul3A_229 = arith.muli %add3A_227, %mul3A_228 : i32
            %get3A_230 = arith.index_cast %mul3A_229 : i32 to index
            %get3A_231 = tpu.vector_load %arg6[%get3A_230] {strides = array<i32>} : memref<12288xf32, #tpu.memory_space<vmem>>, vector<16xf32>,
            %mul3A_232 = arith.constant 16 : i32
            %mul3A_233 = arith.muli %add3A_227, %mul3A_232 : i32
            %add3A_234 = arith.constant 4096 : i32
            %add3A_235 = arith.addi %add3A_234, %mul3A_233 : i32
            %get3A_236 = arith.index_cast %add3A_235 : i32 to index
            %get3A_237 = tpu.vector_load %arg6[%get3A_236] {strides = array<i32>} : memref<12288xf32, #tpu.memory_space<vmem>>, vector<16xf32>,
            %mul3A_238 = arith.constant 16 : i32
            %mul3A_239 = arith.muli %add3A_227, %mul3A_238 : i32
            %add3A_240 = arith.constant 8192 : i32
            %add3A_241 = arith.addi %add3A_240, %mul3A_239 : i32
            %get3A_242 = arith.index_cast %add3A_241 : i32 to index
            %get3A_243 = tpu.vector_load %arg6[%get3A_242] {strides = array<i32>} : memref<12288xf32, #tpu.memory_space<vmem>>, vector<16xf32>,
            %sub3A_244 = arith.subf %gather3A_144, %get3A_231 : vector<16xf32>
            %sub3A_245 = arith.subf %gather3A_150, %get3A_237 : vector<16xf32>
            %sub3A_246 = arith.subf %gather3A_156, %get3A_243 : vector<16xf32>
            %mul3A_247 = arith.mulf %sub3A_244, %sub3A_244 : vector<16xf32>
            %mul3A_248 = arith.mulf %sub3A_245, %sub3A_245 : vector<16xf32>
            %mul3A_249 = arith.mulf %sub3A_246, %sub3A_246 : vector<16xf32>
            %add3A_250 = arith.addf %mul3A_247, %mul3A_248 : vector<16xf32>
            %add3A_251 = arith.addf %add3A_250, %mul3A_249 : vector<16xf32>
            %le3A = arith.constant 4.000000e-02 : f32
            %le3A_252 = vector.broadcast %le3A : f32 to vector<16xf32>
            %le3A_253 = arith.cmpf ole, %add3A_251, %le3A_252 : vector<16xf32>
            %convert_element_type3A_254 = arith.extui %le3A_253 : vector<16xi1> to vector<16xi32>
            %sub3A_255 = arith.constant 1 : i32
            %sub3A_256 = vector.broadcast %sub3A_255 : i32 to vector<16xi32>
            %sub3A_257 = arith.subi %iota3A, %sub3A_256 : vector<16xi32>
            %max3A = arith.constant 0 : i32
            %max3A_258 = vector.broadcast %max3A : i32 to vector<16xi32>
            %max3A_259 = arith.maxsi %sub3A_257, %max3A_258 : vector<16xi32>
            %broadcast_in_dim3A_260 = vector.shape_cast %max3A_259 : vector<16xi32> to vector<16x1xi32>
            %gather3A_261 = vector.shape_cast %broadcast_in_dim3A_260 : vector<16x1xi32> to vector<16xi32>
            %gather3A_262 = tpu.dynamic_gather %convert_element_type3A_254[%gather3A_261] in [0] : vector<16xi32>, vector<16xi32> -> vector<16xi32>
            %ge3A = arith.constant 1 : i32
            %ge3A_263 = vector.broadcast %ge3A : i32 to vector<16xi32>
            %ge3A_264 = arith.cmpi sge, %iota3A, %ge3A_263 : vector<16xi32>
            %jit3A_265 = arith.constant 0 : i32
            %broadcast_in_dim3A_266 = vector.broadcast %jit3A_265 : i32 to vector<16xi32>
            %select_n3A_267 = arith.select %ge3A_264, %gather3A_262, %broadcast_in_dim3A_266 : vector<16xi1>, vector<16xi32>
            %add3A_268 = arith.addi %convert_element_type3A_254, %select_n3A_267 : vector<16xi32>
            %sub3A_269 = arith.constant 2 : i32
            %sub3A_270 = vector.broadcast %sub3A_269 : i32 to vector<16xi32>
            %sub3A_271 = arith.subi %iota3A, %sub3A_270 : vector<16xi32>
            %max3A_272 = arith.constant 0 : i32
            %max3A_273 = vector.broadcast %max3A_272 : i32 to vector<16xi32>
            %max3A_274 = arith.maxsi %sub3A_271, %max3A_273 : vector<16xi32>
            %broadcast_in_dim3A_275 = vector.shape_cast %max3A_274 : vector<16xi32> to vector<16x1xi32>
            %gather3A_276 = vector.shape_cast %broadcast_in_dim3A_275 : vector<16x1xi32> to vector<16xi32>
            %gather3A_277 = tpu.dynamic_gather %add3A_268[%gather3A_276] in [0] : vector<16xi32>, vector<16xi32> -> vector<16xi32>
            %ge3A_278 = arith.constant 2 : i32
            %ge3A_279 = vector.broadcast %ge3A_278 : i32 to vector<16xi32>
            %ge3A_280 = arith.cmpi sge, %iota3A, %ge3A_279 : vector<16xi32>
            %jit3A_281 = arith.constant 0 : i32
            %broadcast_in_dim3A_282 = vector.broadcast %jit3A_281 : i32 to vector<16xi32>
            %select_n3A_283 = arith.select %ge3A_280, %gather3A_277, %broadcast_in_dim3A_282 : vector<16xi1>, vector<16xi32>
            %add3A_284 = arith.addi %add3A_268, %select_n3A_283 : vector<16xi32>
            %sub3A_285 = arith.constant 4 : i32
            %sub3A_286 = vector.broadcast %sub3A_285 : i32 to vector<16xi32>
            %sub3A_287 = arith.subi %iota3A, %sub3A_286 : vector<16xi32>
            %max3A_288 = arith.constant 0 : i32
            %max3A_289 = vector.broadcast %max3A_288 : i32 to vector<16xi32>
            %max3A_290 = arith.maxsi %sub3A_287, %max3A_289 : vector<16xi32>
            %broadcast_in_dim3A_291 = vector.shape_cast %max3A_290 : vector<16xi32> to vector<16x1xi32>
            %gather3A_292 = vector.shape_cast %broadcast_in_dim3A_291 : vector<16x1xi32> to vector<16xi32>
            %gather3A_293 = tpu.dynamic_gather %add3A_284[%gather3A_292] in [0] : vector<16xi32>, vector<16xi32> -> vector<16xi32>
            %ge3A_294 = arith.constant 4 : i32
            %ge3A_295 = vector.broadcast %ge3A_294 : i32 to vector<16xi32>
            %ge3A_296 = arith.cmpi sge, %iota3A, %ge3A_295 : vector<16xi32>
            %jit3A_297 = arith.constant 0 : i32
            %broadcast_in_dim3A_298 = vector.broadcast %jit3A_297 : i32 to vector<16xi32>
            %select_n3A_299 = arith.select %ge3A_296, %gather3A_293, %broadcast_in_dim3A_298 : vector<16xi1>, vector<16xi32>
            %add3A_300 = arith.addi %add3A_284, %select_n3A_299 : vector<16xi32>
            %sub3A_301 = arith.constant 8 : i32
            %sub3A_302 = vector.broadcast %sub3A_301 : i32 to vector<16xi32>
            %sub3A_303 = arith.subi %iota3A, %sub3A_302 : vector<16xi32>
            %max3A_304 = arith.constant 0 : i32
            %max3A_305 = vector.broadcast %max3A_304 : i32 to vector<16xi32>
            %max3A_306 = arith.maxsi %sub3A_303, %max3A_305 : vector<16xi32>
            %broadcast_in_dim3A_307 = vector.shape_cast %max3A_306 : vector<16xi32> to vector<16x1xi32>
            %gather3A_308 = vector.shape_cast %broadcast_in_dim3A_307 : vector<16x1xi32> to vector<16xi32>
            %gather3A_309 = tpu.dynamic_gather %add3A_300[%gather3A_308] in [0] : vector<16xi32>, vector<16xi32> -> vector<16xi32>
            %ge3A_310 = arith.constant 8 : i32
            %ge3A_311 = vector.broadcast %ge3A_310 : i32 to vector<16xi32>
            %ge3A_312 = arith.cmpi sge, %iota3A, %ge3A_311 : vector<16xi32>
            %jit3A_313 = arith.constant 0 : i32
            %broadcast_in_dim3A_314 = vector.broadcast %jit3A_313 : i32 to vector<16xi32>
            %select_n3A_315 = arith.select %ge3A_312, %gather3A_309, %broadcast_in_dim3A_314 : vector<16xi1>, vector<16xi32>
            %add3A_316 = arith.addi %add3A_300, %select_n3A_315 : vector<16xi32>
            %sub3A_317 = arith.constant 1 : i32
            %sub3A_318 = arith.subi %scan3A_226, %sub3A_317 : i32
            %add3A_319 = vector.broadcast %sub3A_318 : i32 to vector<16xi32>
            %add3A_320 = arith.addi %add3A_316, %add3A_319 : vector<16xi32>
            %min3A_321 = arith.constant 48 : i32
            %min3A_322 = vector.broadcast %min3A_321 : i32 to vector<16xi32>
            %min3A_323 = arith.minsi %add3A_320, %min3A_322 : vector<16xi32>
            %mul3A_324 = arith.constant 16 : i32
            %mul3A_325 = arith.muli %add3A_227, %mul3A_324 : i32
            %add3A_326 = vector.broadcast %mul3A_325 : i32 to vector<16xi32>
            %add3A_327 = arith.addi %iota3A, %add3A_326 : vector<16xi32>
            tpu.vector_store_idx %arg8[%min3A_323], %add3A_327 masked %le3A_253 : memref<64xi32, #tpu.memory_space<vmem>>[vector<16xi32>], vector<16xi32>, vector<16xi1>
            %slice3A = vector.extract_strided_slice %add3A_316 {offsets = [15], sizes = [1], strides = [1]} : vector<16xi32> to vector<1xi32>
            %squeeze3A = vector.extract %slice3A[0] : i32 from vector<1xi32>
            %add3A_328 = arith.addi %scan3A_226, %squeeze3A : i32
            scf.yield %add3A_328 : i32
          }
          %scan3A_224 = arith.constant 8 : i32
          scf.yield %scan3A_223 : i32
        } else {
          scf.yield %scan3A_210 : i32
        }
        scf.yield %cond3A_216 : i32
      }
      %scan3A_163 = arith.constant 32 : i32
      %min3A_164 = arith.constant 32 : i32
      %min3A_165 = arith.minsi %scan3A_162, %min3A_164 : i32
      %get3A_166 = arith.constant 0 : index
      %get3A_167 = tpu.vector_load %arg8[%get3A_166] {strides = array<i32>} : memref<64xi32, #tpu.memory_space<vmem>>, vector<16xi32>,
      %get3A_168 = arith.constant 16 : index
      %get3A_169 = tpu.vector_load %arg8[%get3A_168] {strides = array<i32>} : memref<64xi32, #tpu.memory_space<vmem>>, vector<16xi32>,
      %broadcast_in_dim3A_170 = vector.shape_cast %broadcast_in_dim3A_31 : vector<16xi32> to vector<16x1xi32>
      %gather3A_171 = vector.shape_cast %broadcast_in_dim3A_170 : vector<16x1xi32> to vector<16xi32>
      %gather3A_172 = tpu.dynamic_gather %get3A_167[%gather3A_171] in [0] : vector<16xi32>, vector<16xi32> -> vector<16xi32>
      %broadcast_in_dim3A_173 = vector.broadcast %min3A_165 : i32 to vector<16xi32>
      %lt3A_174 = arith.cmpi slt, %iota3A, %broadcast_in_dim3A_173 : vector<16xi32>
      %select_n3A_175 = arith.select %lt3A_174, %get3A_167, %gather3A_172 : vector<16xi1>, vector<16xi32>
      %add3A_176 = arith.constant 16 : i32
      %add3A_177 = vector.broadcast %add3A_176 : i32 to vector<16xi32>
      %add3A_178 = arith.addi %iota3A, %add3A_177 : vector<16xi32>
      %lt3A_179 = arith.cmpi slt, %add3A_178, %broadcast_in_dim3A_173 : vector<16xi32>
      %select_n3A_180 = arith.select %lt3A_179, %get3A_169, %gather3A_172 : vector<16xi1>, vector<16xi32>
      %add3A_181 = vector.broadcast %mul3A_33 : i32 to vector<16xi32>
      %add3A_182 = arith.addi %select_n3A_175, %add3A_181 : vector<16xi32>
      %swap3A_183 = arith.constant 0 : index
      %swap3A_184 = tpu.vector_load %arg10[%swap3A_183] {strides = array<i32>} : memref<32xi32, #tpu.memory_space<vmem>>, vector<16xi32>,
      tpu.vector_store %arg10[%swap3A_183], %add3A_182 {strides = array<i32>} : memref<32xi32, #tpu.memory_space<vmem>>, vector<16xi32>,
      %add3A_185 = vector.broadcast %mul3A_33 : i32 to vector<16xi32>
      %add3A_186 = arith.addi %select_n3A_180, %add3A_185 : vector<16xi32>
      %swap3A_187 = arith.constant 16 : index
      %swap3A_188 = tpu.vector_load %arg10[%swap3A_187] {strides = array<i32>} : memref<32xi32, #tpu.memory_space<vmem>>, vector<16xi32>,
      tpu.vector_store %arg10[%swap3A_187], %add3A_186 {strides = array<i32>} : memref<32xi32, #tpu.memory_space<vmem>>, vector<16xi32>,
      %gt3A_189 = arith.constant 0 : i32
      %gt3A_190 = arith.cmpi sgt, %scan3A_70, %gt3A_189 : i32
      %convert_element_type3A_191 = arith.extui %gt3A_190 : i1 to i32
      %cond3A_192 = arith.constant 0 : i32
      %cond3A_193 = arith.cmpi ne, %convert_element_type3A_191, %cond3A_192 : i32
      scf.if %cond3A_193 {
        %sub3A_209 = arith.constant 2 : i32
        %sub3A_210 = arith.subi %add3A_74, %sub3A_209 : i32
        %mul3A_211 = arith.constant 128 : i32
        %mul3A_212 = arith.muli %add3A, %mul3A_211 : i32
        %add3A_213 = arith.addi %mul3A_212, %sub3A_210 : i32
        %mul3A_214 = arith.constant 32 : i32
        %mul3A_215 = arith.muli %add3A_213, %mul3A_214 : i32
        %dma_wait3A_216 = arith.constant 0 : i32
        %dma_wait3A_217 = tpu.memref_slice %arg5[%mul3A_215, %dma_wait3A_216] : memref<131072x128xf32, #tpu.memory_space<hbm>> -> memref<32x128xf32, #tpu.memory_space<hbm>>
        %dma_wait3A_218 = arith.constant 0 : i32
        %dma_wait3A_219 = tpu.memref_slice %arg5[%mul3A_215, %dma_wait3A_218] : memref<131072x128xf32, #tpu.memory_space<hbm>> -> memref<32x128xf32, #tpu.memory_space<hbm>>
        tpu.wait_dma2 semaphore(%arg16 : memref<!tpu.dma_semaphore, #tpu.memory_space<semaphore_mem>>) src(%arg12 : memref<32x128xf32, #tpu.memory_space<vmem>>) dst(%dma_wait3A_219 : memref<32x128xf32, #tpu.memory_space<hbm>>)
      } else {
      }
      %dma_start3A_194 = arith.constant 0 : i32
      %dma_start3A_195 = arith.constant 0 : i32
      %dma_start3A_196 = tpu.memref_slice %arg4[%dma_start3A_194, %dma_start3A_195] : memref<32768x128xf32, #tpu.memory_space<hbm>> -> memref<32768x128xf32, #tpu.memory_space<hbm>>
      tpu.enqueue_indirect_dma source(%dma_start3A_196 : memref<32768x128xf32, #tpu.memory_space<hbm>>) target(%arg12 : memref<32x128xf32, #tpu.memory_space<vmem>>) offsets(%arg10 : memref<32xi32, #tpu.memory_space<vmem>>) semaphore(%arg14 : memref<!tpu.dma_semaphore, #tpu.memory_space<semaphore_mem>>)
      %dma_wait3A_197 = arith.constant 0 : i32
      %dma_wait3A_198 = arith.constant 0 : i32
      %dma_wait3A_199 = tpu.memref_slice %arg4[%dma_wait3A_197, %dma_wait3A_198] : memref<32768x128xf32, #tpu.memory_space<hbm>> -> memref<32768x128xf32, #tpu.memory_space<hbm>>
      tpu.wait_indirect_dma semaphore(%arg13 : memref<!tpu.dma_semaphore, #tpu.memory_space<semaphore_mem>>) src(%dma_wait3A_199 : memref<32768x128xf32, #tpu.memory_space<hbm>>) dst(%arg11 : memref<32x128xf32, #tpu.memory_space<vmem>>)
      %mul3A_200 = arith.constant 128 : i32
      %mul3A_201 = arith.muli %add3A, %mul3A_200 : i32
      %add3A_202 = arith.addi %mul3A_201, %mul3A_72 : i32
      %mul3A_203 = arith.constant 32 : i32
      %mul3A_204 = arith.muli %add3A_202, %mul3A_203 : i32
      %dma_start3A_205 = arith.constant 0 : i32
      %dma_start3A_206 = tpu.memref_slice %arg5[%mul3A_204, %dma_start3A_205] : memref<131072x128xf32, #tpu.memory_space<hbm>> -> memref<32x128xf32, #tpu.memory_space<hbm>>
      %dma_start3A_207 = arith.constant 0 : i32
      %dma_start3A_208 = tpu.memref_slice %arg5[%mul3A_204, %dma_start3A_207] : memref<131072x128xf32, #tpu.memory_space<hbm>> -> memref<32x128xf32, #tpu.memory_space<hbm>>
      tpu.enqueue_dma source(%arg11 : memref<32x128xf32, #tpu.memory_space<vmem>>) target(%dma_start3A_208 : memref<32x128xf32, #tpu.memory_space<hbm>>) target_semaphore(%arg15 : memref<!tpu.dma_semaphore, #tpu.memory_space<semaphore_mem>>)
    }
    %scan3A_38 = arith.constant 64 : i32
    %dma_wait3A = arith.constant 0 : i32
    %dma_wait3A_39 = arith.constant 0 : i32
    %dma_wait3A_40 = tpu.memref_slice %arg4[%dma_wait3A, %dma_wait3A_39] : memref<32768x128xf32, #tpu.memory_space<hbm>> -> memref<32768x128xf32, #tpu.memory_space<hbm>>
    tpu.wait_indirect_dma semaphore(%arg14 : memref<!tpu.dma_semaphore, #tpu.memory_space<semaphore_mem>>) src(%dma_wait3A_40 : memref<32768x128xf32, #tpu.memory_space<hbm>>) dst(%arg12 : memref<32x128xf32, #tpu.memory_space<vmem>>)
    %mul3A_41 = arith.constant 128 : i32
    %mul3A_42 = arith.muli %add3A, %mul3A_41 : i32
    %add3A_43 = arith.constant 127 : i32
    %add3A_44 = arith.addi %mul3A_42, %add3A_43 : i32
    %mul3A_45 = arith.constant 32 : i32
    %mul3A_46 = arith.muli %add3A_44, %mul3A_45 : i32
    %dma_start3A = arith.constant 0 : i32
    %dma_start3A_47 = tpu.memref_slice %arg5[%mul3A_46, %dma_start3A] : memref<131072x128xf32, #tpu.memory_space<hbm>> -> memref<32x128xf32, #tpu.memory_space<hbm>>
    %dma_start3A_48 = arith.constant 0 : i32
    %dma_start3A_49 = tpu.memref_slice %arg5[%mul3A_46, %dma_start3A_48] : memref<131072x128xf32, #tpu.memory_space<hbm>> -> memref<32x128xf32, #tpu.memory_space<hbm>>
    tpu.enqueue_dma source(%arg12 : memref<32x128xf32, #tpu.memory_space<vmem>>) target(%dma_start3A_49 : memref<32x128xf32, #tpu.memory_space<hbm>>) target_semaphore(%arg16 : memref<!tpu.dma_semaphore, #tpu.memory_space<semaphore_mem>>)
    %mul3A_50 = arith.constant 128 : i32
    %mul3A_51 = arith.muli %add3A, %mul3A_50 : i32
    %add3A_52 = arith.constant 126 : i32
    %add3A_53 = arith.addi %mul3A_51, %add3A_52 : i32
    %mul3A_54 = arith.constant 32 : i32
    %mul3A_55 = arith.muli %add3A_53, %mul3A_54 : i32
    %dma_wait3A_56 = arith.constant 0 : i32
    %dma_wait3A_57 = tpu.memref_slice %arg5[%mul3A_55, %dma_wait3A_56] : memref<131072x128xf32, #tpu.memory_space<hbm>> -> memref<32x128xf32, #tpu.memory_space<hbm>>
    %dma_wait3A_58 = arith.constant 0 : i32
    %dma_wait3A_59 = tpu.memref_slice %arg5[%mul3A_55, %dma_wait3A_58] : memref<131072x128xf32, #tpu.memory_space<hbm>> -> memref<32x128xf32, #tpu.memory_space<hbm>>
    tpu.wait_dma2 semaphore(%arg15 : memref<!tpu.dma_semaphore, #tpu.memory_space<semaphore_mem>>) src(%arg11 : memref<32x128xf32, #tpu.memory_space<vmem>>) dst(%dma_wait3A_59 : memref<32x128xf32, #tpu.memory_space<hbm>>)
    %mul3A_60 = arith.constant 128 : i32
    %mul3A_61 = arith.muli %add3A, %mul3A_60 : i32
    %add3A_62 = arith.constant 127 : i32
    %add3A_63 = arith.addi %mul3A_61, %add3A_62 : i32
    %mul3A_64 = arith.constant 32 : i32
    %mul3A_65 = arith.muli %add3A_63, %mul3A_64 : i32
    %dma_wait3A_66 = arith.constant 0 : i32
    %dma_wait3A_67 = tpu.memref_slice %arg5[%mul3A_65, %dma_wait3A_66] : memref<131072x128xf32, #tpu.memory_space<hbm>> -> memref<32x128xf32, #tpu.memory_space<hbm>>
    %dma_wait3A_68 = arith.constant 0 : i32
    %dma_wait3A_69 = tpu.memref_slice %arg5[%mul3A_65, %dma_wait3A_68] : memref<131072x128xf32, #tpu.memory_space<hbm>> -> memref<32x128xf32, #tpu.memory_space<hbm>>
    tpu.wait_dma2 semaphore(%arg16 : memref<!tpu.dma_semaphore, #tpu.memory_space<semaphore_mem>>) src(%arg12 : memref<32x128xf32, #tpu.memory_space<vmem>>) dst(%dma_wait3A_69 : memref<32x128xf32, #tpu.memory_space<hbm>>)
    return
  }
}

module attributes {stable_mosaic.version = 14 : i64} {
  func.func @_fps_body(%arg0: memref<3x8x4096xf32, #tpu.memory_space<vmem>>, %arg1: memref<512x8x3xf32, #tpu.memory_space<vmem>>, %arg2: memref<8x4096xf32, #tpu.memory_space<vmem>>) attributes {dimension_semantics = [], scalar_prefetch = 0 : i64, scratch_operands = 1 : i64, tpu.core_type = #tpu.core_type<tc>} {
    %get3A = arith.constant 0 : index
    %get3A_0 = arith.constant 0 : index
    %get3A_1 = arith.constant 0 : index
    %get3A_2 = vector.load %arg0[%get3A, %get3A_0, %get3A_1] : memref<3x8x4096xf32, #tpu.memory_space<vmem>>, vector<1x8x4096xf32>
    %get3A_3 = vector.shape_cast %get3A_2 : vector<1x8x4096xf32> to vector<8x4096xf32>
    %get3A_4 = arith.constant 1 : index
    %get3A_5 = arith.constant 0 : index
    %get3A_6 = arith.constant 0 : index
    %get3A_7 = vector.load %arg0[%get3A_4, %get3A_5, %get3A_6] : memref<3x8x4096xf32, #tpu.memory_space<vmem>>, vector<1x8x4096xf32>
    %get3A_8 = vector.shape_cast %get3A_7 : vector<1x8x4096xf32> to vector<8x4096xf32>
    %get3A_9 = arith.constant 2 : index
    %get3A_10 = arith.constant 0 : index
    %get3A_11 = arith.constant 0 : index
    %get3A_12 = vector.load %arg0[%get3A_9, %get3A_10, %get3A_11] : memref<3x8x4096xf32, #tpu.memory_space<vmem>>, vector<1x8x4096xf32>
    %get3A_13 = vector.shape_cast %get3A_12 : vector<1x8x4096xf32> to vector<8x4096xf32>
    %iota3A = tpu.iota {dimensions = array<i32: 1>} : vector<8x4096xi32>
    %broadcast_in_dim3A = arith.constant 1.000000e+10 : f32
    %broadcast_in_dim3A_14 = vector.broadcast %broadcast_in_dim3A : f32 to vector<8x4096xf32>
    %swap3A = arith.constant 0 : index
    %swap3A_15 = arith.constant 0 : index
    %swap3A_16 = vector.load %arg2[%swap3A, %swap3A_15] : memref<8x4096xf32, #tpu.memory_space<vmem>>, vector<8x4096xf32>
    tpu.vector_store %arg2[%swap3A, %swap3A_15], %broadcast_in_dim3A_14 {strides = array<i32>} : memref<8x4096xf32, #tpu.memory_space<vmem>>, vector<8x4096xf32>,
    %broadcast_in_dim3A_17 = arith.constant 0 : i32
    %broadcast_in_dim3A_18 = vector.broadcast %broadcast_in_dim3A_17 : i32 to vector<8x1xi32>
    %scan3A = arith.constant 0 : i32
    %scan3A_19 = arith.constant 512 : i32
    %scan3A_20 = arith.addi %scan3A, %scan3A_19 : i32
    %scan3A_21 = arith.constant 1 : i32
    %scan3A_22 = scf.for %scan3A_24 = %scan3A to %scan3A_20 step %scan3A_21 iter_args(%scan3A_25 = %broadcast_in_dim3A_18) -> (vector<8x1xi32>)  : i32 {
      %eq3A = vector.broadcast %scan3A_25 : vector<8x1xi32> to vector<8x4096xi32>
      %eq3A_26 = arith.cmpi eq, %iota3A, %eq3A : vector<8x4096xi32>
      %jit3A = arith.constant 0.000000e+00 : f32
      %broadcast_in_dim3A_27 = vector.broadcast %jit3A : f32 to vector<8x4096xf32>
      %select_n3A = arith.select %eq3A_26, %get3A_3, %broadcast_in_dim3A_27 : vector<8x4096xi1>, vector<8x4096xf32>
      %reduce_sum3A = arith.constant dense<0.000000e+00> : vector<8xf32>
      %reduce_sum3A_28 = vector.multi_reduction <add>, %select_n3A, %reduce_sum3A [1] : vector<8x4096xf32> to vector<8xf32>
      %broadcast_in_dim3A_29 = vector.shape_cast %reduce_sum3A_28 : vector<8xf32> to vector<8x1xf32>
      %jit3A_30 = arith.constant 0.000000e+00 : f32
      %broadcast_in_dim3A_31 = vector.broadcast %jit3A_30 : f32 to vector<8x4096xf32>
      %select_n3A_32 = arith.select %eq3A_26, %get3A_8, %broadcast_in_dim3A_31 : vector<8x4096xi1>, vector<8x4096xf32>
      %reduce_sum3A_33 = arith.constant dense<0.000000e+00> : vector<8xf32>
      %reduce_sum3A_34 = vector.multi_reduction <add>, %select_n3A_32, %reduce_sum3A_33 [1] : vector<8x4096xf32> to vector<8xf32>
      %broadcast_in_dim3A_35 = vector.shape_cast %reduce_sum3A_34 : vector<8xf32> to vector<8x1xf32>
      %jit3A_36 = arith.constant 0.000000e+00 : f32
      %broadcast_in_dim3A_37 = vector.broadcast %jit3A_36 : f32 to vector<8x4096xf32>
      %select_n3A_38 = arith.select %eq3A_26, %get3A_13, %broadcast_in_dim3A_37 : vector<8x4096xi1>, vector<8x4096xf32>
      %reduce_sum3A_39 = arith.constant dense<0.000000e+00> : vector<8xf32>
      %reduce_sum3A_40 = vector.multi_reduction <add>, %select_n3A_38, %reduce_sum3A_39 [1] : vector<8x4096xf32> to vector<8xf32>
      %broadcast_in_dim3A_41 = vector.shape_cast %reduce_sum3A_40 : vector<8xf32> to vector<8x1xf32>
      %concatenate3A = tpu.concatenate %broadcast_in_dim3A_29, %broadcast_in_dim3A_35, %broadcast_in_dim3A_41 in 1 : vector<8x1xf32>, vector<8x1xf32>, vector<8x1xf32> -> vector<8x3xf32>
      %broadcast_in_dim3A_42 = vector.shape_cast %concatenate3A : vector<8x3xf32> to vector<1x8x3xf32>
      %swap3A_43 = arith.index_cast %scan3A_24 : i32 to index
      %swap3A_44 = arith.constant 0 : index
      %swap3A_45 = arith.constant 0 : index
      %swap3A_46 = vector.load %arg1[%swap3A_43, %swap3A_44, %swap3A_45] : memref<512x8x3xf32, #tpu.memory_space<vmem>>, vector<1x8x3xf32>
      tpu.vector_store %arg1[%swap3A_43, %swap3A_44, %swap3A_45], %broadcast_in_dim3A_42 {strides = array<i32>} : memref<512x8x3xf32, #tpu.memory_space<vmem>>, vector<1x8x3xf32>,
      %sub3A = vector.broadcast %broadcast_in_dim3A_29 : vector<8x1xf32> to vector<8x4096xf32>
      %sub3A_47 = arith.subf %get3A_3, %sub3A : vector<8x4096xf32>
      %sub3A_48 = vector.broadcast %broadcast_in_dim3A_35 : vector<8x1xf32> to vector<8x4096xf32>
      %sub3A_49 = arith.subf %get3A_8, %sub3A_48 : vector<8x4096xf32>
      %sub3A_50 = vector.broadcast %broadcast_in_dim3A_41 : vector<8x1xf32> to vector<8x4096xf32>
      %sub3A_51 = arith.subf %get3A_13, %sub3A_50 : vector<8x4096xf32>
      %mul3A = arith.mulf %sub3A_47, %sub3A_47 : vector<8x4096xf32>
      %mul3A_52 = arith.mulf %sub3A_49, %sub3A_49 : vector<8x4096xf32>
      %mul3A_53 = arith.mulf %sub3A_51, %sub3A_51 : vector<8x4096xf32>
      %add3A = arith.addf %mul3A, %mul3A_52 : vector<8x4096xf32>
      %add3A_54 = arith.addf %add3A, %mul3A_53 : vector<8x4096xf32>
      %get3A_55 = arith.constant 0 : index
      %get3A_56 = arith.constant 0 : index
      %get3A_57 = vector.load %arg2[%get3A_55, %get3A_56] : memref<8x4096xf32, #tpu.memory_space<vmem>>, vector<8x4096xf32>
      %min3A = arith.minimumf %get3A_57, %add3A_54 : vector<8x4096xf32>
      %swap3A_58 = arith.constant 0 : index
      %swap3A_59 = arith.constant 0 : index
      %swap3A_60 = vector.load %arg2[%swap3A_58, %swap3A_59] : memref<8x4096xf32, #tpu.memory_space<vmem>>, vector<8x4096xf32>
      tpu.vector_store %arg2[%swap3A_58, %swap3A_59], %min3A {strides = array<i32>} : memref<8x4096xf32, #tpu.memory_space<vmem>>, vector<8x4096xf32>,
      %reduce_max3A = arith.constant dense<0xFF800000> : vector<8xf32>
      %reduce_max3A_61 = vector.multi_reduction <maximumf>, %min3A, %reduce_max3A [1] : vector<8x4096xf32> to vector<8xf32>
      %broadcast_in_dim3A_62 = vector.shape_cast %reduce_max3A_61 : vector<8xf32> to vector<8x1xf32>
      %eq3A_63 = vector.broadcast %broadcast_in_dim3A_62 : vector<8x1xf32> to vector<8x4096xf32>
      %eq3A_64 = arith.cmpf oeq, %min3A, %eq3A_63 : vector<8x4096xf32>
      %jit3A_65 = arith.constant 4096 : i32
      %broadcast_in_dim3A_66 = vector.broadcast %jit3A_65 : i32 to vector<8x4096xi32>
      %select_n3A_67 = arith.select %eq3A_64, %iota3A, %broadcast_in_dim3A_66 : vector<8x4096xi1>, vector<8x4096xi32>
      %reduce_min3A = arith.constant dense<2147483647> : vector<8xi32>
      %reduce_min3A_68 = vector.multi_reduction <minsi>, %select_n3A_67, %reduce_min3A [1] : vector<8x4096xi32> to vector<8xi32>
      %broadcast_in_dim3A_69 = vector.shape_cast %reduce_min3A_68 : vector<8xi32> to vector<8x1xi32>
      scf.yield %broadcast_in_dim3A_69 : vector<8x1xi32>
    }
    %scan3A_23 = arith.constant 512 : i32
    return
  }
}

module attributes {stable_mosaic.version = 14 : i64} {
  func.func @_mlp_body(%arg0: i32, %arg1: memref<2048x128xf32, #tpu.memory_space<vmem>>, %arg2: memref<2048x3xf32, #tpu.memory_space<vmem>>, %arg3: memref<128x64xf32, #tpu.memory_space<vmem>>, %arg4: memref<1x64xf32, #tpu.memory_space<vmem>>, %arg5: memref<64x64xf32, #tpu.memory_space<vmem>>, %arg6: memref<1x64xf32, #tpu.memory_space<vmem>>, %arg7: memref<64x128xf32, #tpu.memory_space<vmem>>, %arg8: memref<1x128xf32, #tpu.memory_space<vmem>>, %arg9: memref<64x128xf32, #tpu.memory_space<vmem>>) attributes {dimension_semantics = [#tpu.dimension_semantics<parallel>], iteration_bounds = array<i64: 64>, scalar_prefetch = 0 : i64, scratch_operands = 0 : i64, tpu.core_type = #tpu.core_type<tc>, window_params = [{transform_indices = @transform_0, window_bounds = array<i64: 2048, 128>}, {transform_indices = @transform_1, window_bounds = array<i64: 2048, 3>}, {pipeline_mode = #tpu.pipeline_mode<synchronous>, transform_indices = @transform_2, window_bounds = array<i64: 128, 64>}, {pipeline_mode = #tpu.pipeline_mode<synchronous>, transform_indices = @transform_3, window_bounds = array<i64: 1, 64>}, {pipeline_mode = #tpu.pipeline_mode<synchronous>, transform_indices = @transform_4, window_bounds = array<i64: 64, 64>}, {pipeline_mode = #tpu.pipeline_mode<synchronous>, transform_indices = @transform_5, window_bounds = array<i64: 1, 64>}, {pipeline_mode = #tpu.pipeline_mode<synchronous>, transform_indices = @transform_6, window_bounds = array<i64: 64, 128>}, {pipeline_mode = #tpu.pipeline_mode<synchronous>, transform_indices = @transform_7, window_bounds = array<i64: 1, 128>}, {transform_indices = @transform_8, window_bounds = array<i64: 64, 128>}]} {
    %get3A = arith.constant 0 : index
    %get3A_0 = arith.constant 0 : index
    %get3A_1 = vector.load %arg1[%get3A, %get3A_0] : memref<2048x128xf32, #tpu.memory_space<vmem>>, vector<2048x128xf32>
    %get3A_2 = arith.constant 0 : index
    %get3A_3 = arith.constant 0 : index
    %get3A_4 = vector.load %arg2[%get3A_2, %get3A_3] : memref<2048x3xf32, #tpu.memory_space<vmem>>, vector<2048x3xf32>
    %get3A_5 = arith.constant 0 : index
    %get3A_6 = arith.constant 0 : index
    %get3A_7 = vector.load %arg3[%get3A_5, %get3A_6] : memref<128x64xf32, #tpu.memory_space<vmem>>, vector<128x64xf32>
    %dot_general3A = arith.constant dense<0.000000e+00> : vector<2048x64xf32>
    %dot_general3A_8 = tpu.matmul %get3A_1, %get3A_7, %dot_general3A {dimension_numbers = #tpu.dot_dimension_numbers<[1], [0], [0], [1], [0, 0, 1, 1], [], []>, transpose_lhs_hint = false} : vector<2048x128xf32>, vector<128x64xf32>, vector<2048x64xf32> -> vector<2048x64xf32>
    %get3A_9 = arith.constant 64 : index
    %get3A_10 = arith.constant 0 : index
    %get3A_11 = vector.load %arg3[%get3A_9, %get3A_10] : memref<128x64xf32, #tpu.memory_space<vmem>>, vector<3x64xf32>
    %slice3A = vector.extract_strided_slice %get3A_4 {offsets = [0, 0], sizes = [2048, 1], strides = [1, 1]} : vector<2048x3xf32> to vector<2048x1xf32>
    %slice3A_12 = vector.extract_strided_slice %get3A_11 {offsets = [0, 0], sizes = [1, 64], strides = [1, 1]} : vector<3x64xf32> to vector<1x64xf32>
    %mul3A = vector.broadcast %slice3A : vector<2048x1xf32> to vector<2048x64xf32>
    %mul3A_13 = vector.broadcast %slice3A_12 : vector<1x64xf32> to vector<2048x64xf32>
    %mul3A_14 = arith.mulf %mul3A, %mul3A_13 : vector<2048x64xf32>
    %slice3A_15 = vector.extract_strided_slice %get3A_4 {offsets = [0, 1], sizes = [2048, 1], strides = [1, 1]} : vector<2048x3xf32> to vector<2048x1xf32>
    %slice3A_16 = vector.extract_strided_slice %get3A_11 {offsets = [1, 0], sizes = [1, 64], strides = [1, 1]} : vector<3x64xf32> to vector<1x64xf32>
    %mul3A_17 = vector.broadcast %slice3A_15 : vector<2048x1xf32> to vector<2048x64xf32>
    %mul3A_18 = vector.broadcast %slice3A_16 : vector<1x64xf32> to vector<2048x64xf32>
    %mul3A_19 = arith.mulf %mul3A_17, %mul3A_18 : vector<2048x64xf32>
    %add3A = arith.addf %mul3A_14, %mul3A_19 : vector<2048x64xf32>
    %slice3A_20 = vector.extract_strided_slice %get3A_4 {offsets = [0, 2], sizes = [2048, 1], strides = [1, 1]} : vector<2048x3xf32> to vector<2048x1xf32>
    %slice3A_21 = vector.extract_strided_slice %get3A_11 {offsets = [2, 0], sizes = [1, 64], strides = [1, 1]} : vector<3x64xf32> to vector<1x64xf32>
    %mul3A_22 = vector.broadcast %slice3A_20 : vector<2048x1xf32> to vector<2048x64xf32>
    %mul3A_23 = vector.broadcast %slice3A_21 : vector<1x64xf32> to vector<2048x64xf32>
    %mul3A_24 = arith.mulf %mul3A_22, %mul3A_23 : vector<2048x64xf32>
    %add3A_25 = arith.addf %add3A, %mul3A_24 : vector<2048x64xf32>
    %sub3A = arith.subf %dot_general3A_8, %add3A_25 : vector<2048x64xf32>
    %get3A_26 = arith.constant 0 : index
    %get3A_27 = arith.constant 0 : index
    %get3A_28 = vector.load %arg4[%get3A_26, %get3A_27] : memref<1x64xf32, #tpu.memory_space<vmem>>, vector<1x64xf32>
    %add3A_29 = vector.broadcast %get3A_28 : vector<1x64xf32> to vector<2048x64xf32>
    %add3A_30 = arith.addf %sub3A, %add3A_29 : vector<2048x64xf32>
    %max3A = arith.constant 0.000000e+00 : f32
    %max3A_31 = vector.broadcast %max3A : f32 to vector<2048x64xf32>
    %max3A_32 = arith.maximumf %add3A_30, %max3A_31 : vector<2048x64xf32>
    %get3A_33 = arith.constant 0 : index
    %get3A_34 = arith.constant 0 : index
    %get3A_35 = vector.load %arg5[%get3A_33, %get3A_34] : memref<64x64xf32, #tpu.memory_space<vmem>>, vector<64x64xf32>
    %dot_general3A_36 = arith.constant dense<0.000000e+00> : vector<2048x64xf32>
    %dot_general3A_37 = tpu.matmul %max3A_32, %get3A_35, %dot_general3A_36 {dimension_numbers = #tpu.dot_dimension_numbers<[1], [0], [0], [1], [0, 0, 1, 1], [], []>, transpose_lhs_hint = false} : vector<2048x64xf32>, vector<64x64xf32>, vector<2048x64xf32> -> vector<2048x64xf32>
    %get3A_38 = arith.constant 0 : index
    %get3A_39 = arith.constant 0 : index
    %get3A_40 = vector.load %arg6[%get3A_38, %get3A_39] : memref<1x64xf32, #tpu.memory_space<vmem>>, vector<1x64xf32>
    %add3A_41 = vector.broadcast %get3A_40 : vector<1x64xf32> to vector<2048x64xf32>
    %add3A_42 = arith.addf %dot_general3A_37, %add3A_41 : vector<2048x64xf32>
    %max3A_43 = arith.constant 0.000000e+00 : f32
    %max3A_44 = vector.broadcast %max3A_43 : f32 to vector<2048x64xf32>
    %max3A_45 = arith.maximumf %add3A_42, %max3A_44 : vector<2048x64xf32>
    %get3A_46 = arith.constant 0 : index
    %get3A_47 = arith.constant 0 : index
    %get3A_48 = vector.load %arg7[%get3A_46, %get3A_47] : memref<64x128xf32, #tpu.memory_space<vmem>>, vector<64x128xf32>
    %dot_general3A_49 = arith.constant dense<0.000000e+00> : vector<2048x128xf32>
    %dot_general3A_50 = tpu.matmul %max3A_45, %get3A_48, %dot_general3A_49 {dimension_numbers = #tpu.dot_dimension_numbers<[1], [0], [0], [1], [0, 0, 1, 1], [], []>, transpose_lhs_hint = false} : vector<2048x64xf32>, vector<64x128xf32>, vector<2048x128xf32> -> vector<2048x128xf32>
    %get3A_51 = arith.constant 0 : index
    %get3A_52 = arith.constant 0 : index
    %get3A_53 = vector.load %arg8[%get3A_51, %get3A_52] : memref<1x128xf32, #tpu.memory_space<vmem>>, vector<1x128xf32>
    %add3A_54 = vector.broadcast %get3A_53 : vector<1x128xf32> to vector<2048x128xf32>
    %add3A_55 = arith.addf %dot_general3A_50, %add3A_54 : vector<2048x128xf32>
    %max3A_56 = arith.constant 0.000000e+00 : f32
    %max3A_57 = vector.broadcast %max3A_56 : f32 to vector<2048x128xf32>
    %max3A_58 = arith.maximumf %add3A_55, %max3A_57 : vector<2048x128xf32>
    %reshape3A = vector.shape_cast %max3A_58 : vector<2048x128xf32> to vector<64x32x128xf32>
    %reduce_max3A = arith.constant dense<0xFF800000> : vector<64x128xf32>
    %reduce_max3A_59 = vector.multi_reduction <maximumf>, %reshape3A, %reduce_max3A [1] : vector<64x32x128xf32> to vector<64x128xf32>
    %swap3A = arith.constant 0 : index
    %swap3A_60 = arith.constant 0 : index
    %swap3A_61 = vector.load %arg9[%swap3A, %swap3A_60] : memref<64x128xf32, #tpu.memory_space<vmem>>, vector<64x128xf32>
    tpu.vector_store %arg9[%swap3A, %swap3A_60], %reduce_max3A_59 {strides = array<i32>} : memref<64x128xf32, #tpu.memory_space<vmem>>, vector<64x128xf32>,
    return
  }
  func.func @transform_0(%arg0: i32) -> (i32, i32) {
    %c0_i32 = arith.constant 0 : i32
    %c0_i32_0 = arith.constant 0 : i32
    return %arg0, %c0_i32 : i32, i32
  }
  func.func @transform_1(%arg0: i32) -> (i32, i32) {
    %c0_i32 = arith.constant 0 : i32
    %c0_i32_0 = arith.constant 0 : i32
    return %arg0, %c0_i32 : i32, i32
  }
  func.func @transform_2(%arg0: i32) -> (i32, i32) {
    %c0_i32 = arith.constant 0 : i32
    %c0_i32_0 = arith.constant 0 : i32
    %c0_i32_1 = arith.constant 0 : i32
    return %c0_i32, %c0_i32_0 : i32, i32
  }
  func.func @transform_3(%arg0: i32) -> (i32, i32) {
    %c0_i32 = arith.constant 0 : i32
    %c0_i32_0 = arith.constant 0 : i32
    %c0_i32_1 = arith.constant 0 : i32
    return %c0_i32, %c0_i32_0 : i32, i32
  }
  func.func @transform_4(%arg0: i32) -> (i32, i32) {
    %c0_i32 = arith.constant 0 : i32
    %c0_i32_0 = arith.constant 0 : i32
    %c0_i32_1 = arith.constant 0 : i32
    return %c0_i32, %c0_i32_0 : i32, i32
  }
  func.func @transform_5(%arg0: i32) -> (i32, i32) {
    %c0_i32 = arith.constant 0 : i32
    %c0_i32_0 = arith.constant 0 : i32
    %c0_i32_1 = arith.constant 0 : i32
    return %c0_i32, %c0_i32_0 : i32, i32
  }
  func.func @transform_6(%arg0: i32) -> (i32, i32) {
    %c0_i32 = arith.constant 0 : i32
    %c0_i32_0 = arith.constant 0 : i32
    %c0_i32_1 = arith.constant 0 : i32
    return %c0_i32, %c0_i32_0 : i32, i32
  }
  func.func @transform_7(%arg0: i32) -> (i32, i32) {
    %c0_i32 = arith.constant 0 : i32
    %c0_i32_0 = arith.constant 0 : i32
    %c0_i32_1 = arith.constant 0 : i32
    return %c0_i32, %c0_i32_0 : i32, i32
  }
  func.func @transform_8(%arg0: i32) -> (i32, i32) {
    %c0_i32 = arith.constant 0 : i32
    %c0_i32_0 = arith.constant 0 : i32
    return %arg0, %c0_i32 : i32, i32
  }
}

</mosaic_0001>

<sc_bundles>
// kernel: kernel.5.cloned.1.call-start
scs
__scs_entry_jumppad:
0x0: {  	(pc) =	sbr.rel $0x88, $3  }
0x1: {  	(tag) =	ssettag $0x0;
	lr =	simm.s32 $0x1  }
0x2: {  	[smem:$0x3F93] =	sst lr;
	_ =	strace $0xD0000000  }
0x3: {  	_ = 	snop  }
0x4: {  	_ = 	snop  }
0x5: {  	_ = 	snop  }
0x6: {  	_ = 	snop  }
0x7: {  	_ = 	snop  }
__scs_overlays_trampoline_lowered:
0x8: {  	[smem:$0x3FA2] =	sst s0  }
0x9: {  	[smem:$0x3FA3] =	sst s1  }
0xa: {  	[smem:$0x3FA4] =	sst s2  }
0xb: {  	[smem:$0x3FA5] =	sst s3  }
0xc: {  	[smem:$0x3FA6] =	sst s4  }
0xd: {  	[smem:$0x3FA7] =	sst s5  }
0xe: {  	[smem:$0x3FA8] =	sst s6  }
0xf: {  	[smem:$0x3FA9] =	sst s7  }
0x10: {  	[smem:$0x3FAA] =	sst s8  }
0x11: {  	[smem:$0x3FAB] =	sst s9;
	s0 =	simm.s32 @!p0 $0x0  }
0x12: {  	s1 =	sld [smem:$0x3F91];
	s0 =	simm.s32 @p0 $0x1  }
0x13: {  	[smem:$0x3FAC] =	sst s0;
	s0 =	simm.s32 @!p1 $0x0  }
0x14: {  	s2 =	sld [smem:$0x3F90];
	s0 =	simm.s32 @p1 $0x1  }
0x15: {  	[smem:$0x3FAD] =	sst s0;
	s0 =	simm.s32 @!p2 $0x0  }
0x16: {  	s3 =	sld [smem:$0x3FDB];
	s0 =	simm.s32 @p2 $0x1  }
0x17: {  	s4 =	simm.s32 $0x1BF5;
	[smem:$0x3FAF] =	sst s0  }
0x18: {  	s0 =	sld [smem:$0x3F92];
	_ =	swait.ge [sflag:s4], $0x0  }
0x19: {  	s7 =	sld [smem:$0x3F93]  }
0x1a: {  	s8 =	sadd.s32 $0xFFFFE003, lr  }
0x1b: {  	s9 =	sadd.s32 $0xFFFFFEF7, lr;
	s5 =	simm.s32 $0xFFFFFFFF;
	p2 =	slt.u32 s8, $0xFFFFF086  }
0x1c: {  	p1 =	slt.u32 s9, $0xF7A;
	s5 =	simm.s32 @!p2 $0x0  }
0x1d: {  	s5 =	simm.s32 @p1 $0x1;
	p0 =	seq.s32 s7, s2  }
0x1e: {  	s7 =	smul.u32 @!p0 $0xF7A, s2;
	p2 =	seq.s32 @!p0 s5, $0x0  }
0x1f: {  	s9 =	smul.u32 $0xF7A, s1;
	s8 =	simm.s32 @!p0 $0x1BF5;
	p2 =	por !p2, p0  }
0x20: {  	[sflag:s8] =	ssyncset.s32 @!p0 $0xFFFFF086;
	s6 =	sadd.s32 @!p0 s3, s7;
	s7 =	simm.s32 @!p0 $0x108  }
0x21: {  	s3 =	sadd.s32 s3, s9;
	s6 =	sadd.s32 @!p0 $0x88, s6;
	s7 =	simm.s32 @p2 $0x1082  }
0x22: {  	[simem:s7], [sflag:s8] =	dma.local @!p0 [hbm:s6], $0xF7A  }
0x23: {  	s9 =	sor.u32 $0xD0000000, s2;
	s6 =	simm.s32 $0x108;
	_ =	swait.ge @!p0 [sflag:s8], $0x0  }
0x24: {  	s3 =	sadd.s32 $0x88, s3;
	s6 =	simm.s32 @!p1 $0x1082;
	[sflag:s4] =	ssyncset.s32 $0xFFFFF086  }
0x25: {  	[simem:s6], [sflag:s4] =	dma.local [hbm:s3], $0xF7A  }
0x26: {  	[smem:$0x3F93] =	sst s1;
	(tag) =	ssettag s2;
	_ =	strace s9  }
0x27: {  	s1 =	sld [smem:$0x3FA3]  }
0x28: {  	s2 =	sld [smem:$0x3FA4]  }
0x29: {  	s4 =	sld [smem:$0x3FA6]  }
0x2a: {  	p0 =	seq.s32 s5, $0x0;
	s5 =	sld [smem:$0x3FA7]  }
0x2b: {  	s6 =	sld [smem:$0x3FA8]  }
0x2c: {  	s7 =	sld [smem:$0x3FA9]  }
0x2d: {  	s3 =	simm.s32 $0x108;
	s8 =	sld [smem:$0x3FAA]  }
0x2e: {  	s3 =	simm.s32 @!p0 $0x1082;
	s9 =	sld [smem:$0x3FAB]  }
0x2f: {  	lr =	sadd.s32 s0, s3;
	s0 =	sld [smem:$0x3FA2]  }
0x30: {  	s3 =	sld [smem:$0x3FA5]  }
0x31: {  	[smem:$0x3FAE] =	sst s10  }
0x32: {  	s10 =	sld [smem:$0x3FAC];
	_ =	sdelay $0x3  }
0x33: {  	p0 =	seq.s32 s10, $0x1;
	s10 =	sld [smem:$0x3FAE];
	_ =	sdelay $0x3  }
0x34: {  	[smem:$0x3FAE] =	sst s10  }
0x35: {  	s10 =	sld [smem:$0x3FAD];
	_ =	sdelay $0x3  }
0x36: {  	p1 =	seq.s32 s10, $0x1;
	s10 =	sld [smem:$0x3FAE];
	_ =	sdelay $0x3  }
0x37: {  	[smem:$0x3FAE] =	sst s10  }
0x38: {  	s10 =	sld [smem:$0x3FAF]  }
0x39: {  	_ = 	snop;
	(pc) =	sbr.ind lr, $3  }
0x3a: {  	_ = 	snop  }
0x3b: {  	_ = 	snop  }
0x3c: {  	p2 =	seq.s32 s10, $0x1;
	s10 =	sld [smem:$0x3FAE]  }
0x3d: {  	_ =	shalt  }
0x3e: {  	_ =	shalt  }
0x3f: {  	_ =	shalt  }
0x40: {  	_ =	shalt  }
0x41: {  	_ =	shalt  }
0x42: {  	_ =	shalt  }
0x43: {  	_ =	shalt  }
0x44: {  	_ =	shalt  }
0x45: {  	_ =	shalt  }
0x46: {  	_ =	shalt  }
0x47: {  	_ =	shalt  }
0x48: {  	_ =	shalt  }
0x49: {  	_ =	shalt  }
0x4a: {  	_ =	shalt  }
0x4b: {  	_ =	shalt  }
0x4c: {  	_ =	shalt  }
0x4d: {  	_ =	shalt  }
0x4e: {  	_ =	shalt  }
0x4f: {  	_ =	shalt  }
0x50: {  	_ =	shalt  }
0x51: {  	_ =	shalt  }
0x52: {  	_ =	shalt  }
0x53: {  	_ =	shalt  }
0x54: {  	_ =	shalt  }
0x55: {  	_ =	shalt  }
0x56: {  	_ =	shalt  }
0x57: {  	_ =	shalt  }
0x58: {  	_ =	shalt  }
0x59: {  	_ =	shalt  }
0x5a: {  	_ =	shalt  }
0x5b: {  	_ =	shalt  }
0x5c: {  	_ =	shalt  }
0x5d: {  	_ =	shalt  }
0x5e: {  	_ =	shalt  }
0x5f: {  	_ =	shalt  }
0x60: {  	_ =	shalt  }
0x61: {  	_ =	shalt  }
0x62: {  	_ =	shalt  }
0x63: {  	_ =	shalt  }
0x64: {  	_ =	shalt  }
0x65: {  	_ =	shalt  }
0x66: {  	_ =	shalt  }
0x67: {  	_ =	shalt  }
0x68: {  	_ =	shalt  }
0x69: {  	_ =	shalt  }
0x6a: {  	_ =	shalt  }
0x6b: {  	_ =	shalt  }
0x6c: {  	_ =	shalt  }
0x6d: {  	_ =	shalt  }
0x6e: {  	_ =	shalt  }
0x6f: {  	_ =	shalt  }
0x70: {  	_ =	shalt  }
0x71: {  	_ =	shalt  }
0x72: {  	_ =	shalt  }
0x73: {  	_ =	shalt  }
0x74: {  	_ =	shalt  }
0x75: {  	_ =	shalt  }
0x76: {  	_ =	shalt  }
0x77: {  	_ =	shalt  }
0x78: {  	_ =	shalt  }
0x79: {  	_ =	shalt  }
0x7a: {  	_ =	shalt  }
0x7b: {  	_ =	shalt  }
0x7c: {  	_ =	shalt  }
0x7d: {  	_ =	shalt  }
0x7e: {  	_ =	shalt  }
0x7f: {  	_ =	shalt  }
0x80: {  	_ =	shalt  }
0x81: {  	_ =	shalt  }
0x82: {  	_ =	shalt  }
0x83: {  	_ =	shalt  }
0x84: {  	_ =	shalt  }
0x85: {  	_ =	shalt  }
0x86: {  	_ =	shalt  }
0x87: {  	_ =	shalt  }
.Lfunc_end0:
.L_simem_size_0:
called_computation_lowered:
.L_overlay_start_0:
0x88: {  	s2 =	sld [smem:$0x3FD9]  }
0x89: {  	s3 =	sld [smem:$0x3FFE];
	_ =	sdelay $0x1  }
0x8a: {  	s1 =	srdreg.scid  }
0x8b: {  	s0 =	sand.u32 $0x1, s1  }
0x8c: {  	s14 =	sshll.u32 s0, $0xA;
	s2 =	sadd.s32 s3, s2  }
0x8d: {  	s2 =	sadd.s32 s2, s14  }
0x8e: {  	[smem:$0x3FBA] =	sst s2  }
0x8f: {  	_ = 	snop  }
0x90: {  	s2 =	sld [smem:$0x3FD0];
	_ =	sdelay $0x2  }
0x91: {  	s4 =	simm.s32 $0xA;
	s5 =	simm.s32 $0x10;
	s15 =	sld [smem:$0x3FC8]  }
0x92: {  	[smem:s5], [sflag:s4] =	dma.local [hbm:s2], $0x1  }
0x93: {  	_ =	swait.eq [sflag:s4], $0x1  }
0x94: {  	[sflag:s4] =	ssyncset.done $0x0  }
0x95: {  	[sflag:s4] =	ssyncadd.s32 $0xFFFFFFFF  }
0x96: {  	s16 =	sld [smem:$0x11];
	(tm) =	ssettm $0x1  }
0x97: {  	s17 =	sld [smem:$0x3FFB];
	_ =	sdelay $0x3  }
0x98: {  	_ =	strace s17  }
0x99: {  	s4 =	sld [smem:$0x3FFC];
	_ =	sdelay $0x3  }
0x9a: {  	_ =	strace s4  }
0x9b: {  	s4 =	sld [smem:$0x3FFD];
	_ =	sdelay $0x3  }
0x9c: {  	_ =	strace s4  }
0x9d: {  	_ =	strace $0x8FFFFFFF  }
0x9e: {  	s18 =	sld [smem:$0x3FDB];
	_ =	sdelay $0x1  }
0x9f: {  	s19 =	simm.s32 $_scs_section_size  }
0xa0: {  	s6 =	simm.s32 $_size__tile_overlayer_lowered;
	s7 =	simm.s32 $_tile_overlayer_lowered  }
0xa1: {  	s22 =	simm.s32 $0x1BFF;
	s21 =	sshll.u32 s7, $0x1;
	s4 =	sadd.s32 s19, s18  }
0xa2: {  	s8 =	simm.s32 $0x0;
	s20 =	sshll.u32 s6, $0x1;
	s6 =	sadd.s32 s21, s4  }
0xa3: {  	[timem:s8], [sflag:s22] =	dma.local [hbm:s6], s20  }
0xa4: {  	_ =	swait.ge [sflag:s22], s20  }
0xa5: {  	s5 =	ssub.s32 $0x0, s20;
	[sflag:s22] =	ssyncset.done $0x0  }
0xa6: {  	[sflag:s22] =	ssyncadd.s32 s5;
	_ =	sdelay $0x1  }
0xa7: {  	s23 =	simm.s32 $0x1B8B  }
0xa8: {  	_ =	swait.ge [sflag:s23], $0x1  }
0xa9: {  	[sflag:s23] =	ssyncset.done $0x0  }
0xaa: {  	s25 =	simm.s32 $0x1B8E;
	s24 =	sld [smem:$0x3FFE];
	[sflag:s23] =	ssyncadd.s32 $0xFFFFFFFF  }
0xab: {  	s26 =	simm.s32 $execute0_lowered;
	[smem:$0x3FD2] =	sst s25  }
0xac: {  	s6 =	sshll.u32 s26, $0x1;
	_ =	strace $0x80000046;
	[dreg:$0x1] =	wrdreg $0xFFFFFFFF  }
0xad: {  	s28 =	simm.s32 $_size_execute0_lowered;
	s4 =	sadd.s32 s4, s6;
	[dreg:$0x0] =	wrdreg $0x0  }
0xae: {  	s6 =	sshll.u32 s28, $0x1;
	[dreg:$0x2] =	wrdreg s4  }
0xaf: {  	[dreg:$0x3] =	wrdreg s6  }
0xb0: {  	[dreg:$0x4] =	wrdreg $0xC0  }
0xb1: {  	_ =	task [dreg:s8], $0x5FFFF  }
0xb2: {  	[dreg:$0x1] =	wrdreg $0xFFFFFFFF  }
0xb3: {  	[dreg:$0x0] =	wrdreg $0x60  }
0xb4: {  	[dreg:$0x2] =	wrdreg s15  }
0xb5: {  	[dreg:$0x3] =	wrdreg s16  }
0xb6: {  	[dreg:$0x4] =	wrdreg s24  }
0xb7: {  	[dreg:$0x5] =	wrdreg $0x9  }
0xb8: {  	_ =	task.clear_ibuf [dreg:s8], $0x6FFFF;
	_ =	strace $0x90000046  }
0xb9: {  	s29 =	simm.s32 $0x9;
	_ =	strace $0x80000048  }
0xba: {  	_ =	swait.ge [sflag:s29], $0x1  }
0xbb: {  	[sflag:s29] =	ssyncadd.s32 $0xFFFFFFFF  }
0xbc: {  	_ =	strace $0x90000048  }
0xbd: {  	_ =	sfence  }
0xbe: {  	s30 =	sld [smem:$0x0];
	_ =	sdelay $0x2  }
0xbf: {  	s31 =	sshll.u32 s1, $0xD;
	s1 =	sshrl.u32 s1, $0x2  }
0xc0: {  	s3 =	sand.u32 $0x4000, s31;
	s1 =	sadd.s32 s1, s30  }
0xc1: {  	s0 =	sor.u32 s3, s0;
	s1 =	sshll.u32 s1, $0x11  }
0xc2: {  	s0 =	sor.u32 s1, s0  }
0xc3: {  	s0 =	sadd.s32 $0x8F2B, s0  }
0xc4: {  	[sflag:s0] =	ssyncadd.remote.s32 $0x1  }
0xc5: {  	_ =	sfence.sel $0xFFFF  }
0xc6: {  	[dreg:$0x0] =	wrdreg $0xFFFFFFFF;
	(pc) =	sbr.abs _section_cstart, $3  }
0xc7: {  	[dreg:$0x1] =	wrdreg $0xFFFFFFFF  }
0xc8: {  	_ =	task.clear_ibuf [dreg:s8], $0x2FFFF;
	_ =	strace $0x9FFFFFFF  }
0xc9: {  	(tm) =	ssettm $0x7FFFFFFF  }
tec
execute0_lowered:
.L_overlay_start_1:
0x0: {  	(tag) =	ssettag $0x1  }
0x1: {  	s0 =	srdreg.scid;
	s6 =	rddreg [dreg:$0x0]  }
0x2: {  	s11 =	stileid.u32;
	s7 =	rddreg [dreg:$0x1]  }
0x3: {  	s3 =	simm.s32 $0x1;
	s4 =	rddreg [dreg:$0x2];
	s13 =	simm.s32 $0x80  }
0x4: {  	s14 =	simm.s32 $0x400;
	s15 =	simm.s32 $0x5;
	s17 =	simm.s32 $0x5000  }
0x5: {  	s18 =	simm.s32 $0x20;
	s19 =	simm.s32 $0x5100;
	s20 =	simm.s32 $0x6180  }
0x6: {  	s21 =	simm.s32 $0x5180;
	s22 =	simm.s32 $0x2;
	s0 =	sand.u32 $0x1, s0  }
0x7: {  	s23 =	simm.s32 $0x3;
	s24 =	simm.s32 $0x4;
	s1 =	sshll.u32 s0, $0x4  }
0x8: {  	v0 =	vimm.s32 $0xEDCBA987;
	v1 =	vimm.s32 $0x65432100;
	v5 =	vimm.s32 $0x54321000;
	s25 =	simm.s32 $0x0;
	s2 =	sand.u32 $0x3, s11;
	s1 =	sor.u32 s11, s1  }
0x9: {  	v6 =	vimm.s32 $0xDCBA9876;
	v7 =	vimm.s32 $0xBA987654;
	v8 =	vimm.s32 $0x32100000;
	s30 =	sshll.u32 s11, $0x7;
	p1 =	sne.s32 s2, $0x0;
	p0 =	seq.s32 s1, $0x0  }
0xa: {  	v9 =	vimm.s32 $0xE40000;
	vm0 =	vmmov $0x3;
	vm1 =	vmmov $0xf;
	s2 =	simm.s32 $0x0;
	s0 =	ssub.s32 $0x2, s0;
	p0 =	por !p1, !p0  }
0xb: {  	vm2 =	vcmask $0x3F30;
	v2 =	vunpack.c.l.s4.s8 v0;
	v3 =	vunpack.c.l.s4.s8 v1;
	[smem:$0x7FF] =	sst s2;
	s10 =	sshrl.u32 s0, $0x1;
	p0 =	por !p0, !p0  }
0xc: {  	v1 =	vimm.s32 $0x0;
	v5 =	vunpack.c.l.s4.s8 v5;
	v6 =	vunpack.c.l.s4.s8 v6;
	s5 =	sshrl.u32 s1, $0x2;
	_ =	strace $0x80000047;
	s3 =	simm.s32 @!p0 $0x0  }
0xd: {  	v7 =	vunpack.c.l.s4.s8 v7;
	v8 =	vunpack.c.l.s4.s8 v8;
	v9 =	vunpack.c.l.s2.s4 v9;
	s0 =	ssub.s32 s0, s10;
	s31 =	sshll.u32 s1, $0x13;
	s5 =	ssub.s32 s5, s3  }
0xe: {  	v4 =	vunpack.c.0.s8.s32 v2;
	v3 =	vunpack.c.0.s8.s32 v3;
	v6 =	vunpack.c.0.s8.s32 v6;
	s1 =	sshll.u32 s1, $0x10;
	s12 =	smax.u32 s0, $0x1;
	s9 =	sshrl.u32 s5, $0x3  }
0xf: {  	v5 =	vunpack.c.0.s8.s32 v5;
	v7 =	vunpack.c.0.s8.s32 v7;
	v8 =	vunpack.c.0.s8.s32 v8;
	s8 =	sshll.u32 s5, $0xC;
	s5 =	sshll.u32 s5, $0x7;
	s28 =	smul.u32 $0x18000, s9  }
0x10: {  	v9 =	vunpack.c.l.s4.s8 v9;
	v4 =	vand.u32 $0xF, v4;
	v6 =	vand.u32 $0xF, v6;
	s3 =	sadd.s32 $0x2400, s4;
	s4 =	sadd.s32 $0x82400, s4;
	s5 =	sand.u32 $0x380, s5  }
.Ltmp0:
0x11: {  	v5 =	vcombine.low v5, v6;
	v6 =	vand.u32 $0xF, v7;
	v0 =	vmov s8;
	s9 =	sshll.u32 s9, $0x10;
	s8 =	sor.u32 s5, s28;
	(pc) =	sbr.rel .LBB2_1-.Ltmp0, $4  }
0x12: {  	v9 =	vunpack.c.0.s8.s32 v9;
	v6 =	vcombine.low v8, v6;
	v8 =	vimm.s32 $0x7060504;
	s10 =	sadd.s32 s4, s1;
	s5 =	sor.u32 s5, s9;
	s8 =	sshrl.u32 s8, $0x3  }
0x13: {  	v2 =	vimm.s32 $0x1;
	v3 =	vcombine.low v3, v4;
	v8 =	vunpack.c.0.s8.s32 v8;
	s11 =	sadd.s32 $0xFE00, s10;
	s9 =	sshrl.u32 s5, $0x3;
	s6 =	sadd.s32 s6, s8  }
0x14: {  	v4 =	vimm.s32 $0x2;
	v7 =	vlaneseq.u32;
	v9 =	vand.u32 $0x3, v9;
	s5 =	simm.s32 $0x1;
	s29 =	sadd.s32 s7, s9;
	[dreg:$0x4] =	wrdreg s6  }
0x15: {  	v8 =	vsel vm2, v8, v9;
	vm2 =	vmmov $0xff;
	v9 =	vor.u32 $0x10, v7;
	s8 =	sand.u32 $0x180, s30;
	s9 =	sadd.s32 $0xFFFFF000, s31;
	[dreg:$0x5] =	wrdreg s29  }
.LBB2_15:
0x16: {  	_ =	swait.ge [sflag:s22], $0x1000  }
0x17: {  	[sflag:s22] =	ssyncset.done $0x0  }
0x18: {  	s25 =	sadd.s32 $0x1, s25;
	[sflag:s22] =	ssyncadd.s32 $0xFFFFF000  }
0x19: {  	[hbm4b:s11+s2] =	stream.linear.scatter [tilespmem:s20], [sflag:$0x4], $0x1000, $0x38;
	[tilespmem:$0x7180] =	vst v63  }
0x1a: {  	p0 =	sne.s32 s25, s12;
	_ =	swait.ge [sflag:s23], $0x1000  }
.Ltmp1:
0x1b: {  	[sflag:s23] =	ssyncset.done $0x0;
	(pc) =	sbr.rel @!p0 .LBB2_16-.Ltmp1, $4  }
0x1c: {  	[sflag:s23] =	ssyncadd.s32 $0xFFFFF000  }
0x1d: {  	_ =	swait.ge [sflag:s24], $0x1000  }
0x1e: {  	[sflag:s24] =	ssyncset.done $0x0  }
0x1f: {  	[sflag:s24] =	ssyncadd.s32 $0xFFFFF000  }
.LBB2_1:
0x20: {  	s0 =	rddreg [dreg:$0x4]  }
0x21: {  	[tilespmem:s2], [sflag:$0x5] =	stream.strided.gather [hbm4b:s0+s13], $0x3000, s14, s13, $0x38;
	[tilespmem:$0x7180] =	vst v63  }
0x22: {  	_ =	swait.ge [sflag:s15], $0x3000  }
0x23: {  	s1 =	simm.s32 $0x3000;
	[sflag:s15] =	ssyncset.done $0x0  }
.Ltmp2:
0x24: {  	s31 =	rddreg [dreg:$0x5];
	[sflag:s15] =	ssyncadd.s32 $0xFFFFD000;
	(pc) =	sbr.rel .LBB2_2-.Ltmp2, $4  }
0x25: {  	[tilespmem:s1], [sflag:$0x5] =	stream.strided.gather [hbm4b:s31+s13], $0x2000, s14, s13, $0x38;
	[tilespmem:$0x7180] =	vst v63  }
0x26: {  	_ =	swait.ge [sflag:s15], $0x2000  }
0x27: {  	[sflag:s15] =	ssyncset.done $0x0  }
0x28: {  	s26 =	simm.s32 $0x0;
	[sflag:s15] =	ssyncadd.s32 $0xFFFFE000  }
.LBB2_14:
0x29: {  	v10 =	vld [tilespmem:$0x5000];
	_ =	sdelay $0x2  }
0x2a: {  	p1 =	slt.s32 s28, $0x20;
	v11 =	vld [tilespmem:$0x5010]  }
0x2b: {  	s28 =	simm.s32 @!p1 $0x20  }
0x2c: {  	v13 =	vmov s28;
	v12 =	vperm.xlane v10, v1  }
0x2d: {  	vm3 =	vgt.s32 v13, v7  }
0x2e: {  	v10 =	vsel vm3, v10, v12;
	vm3 =	vgt.s32 v13, v9  }
0x2f: {  	v11 =	vsel vm3, v11, v12;
	v10 =	vadd.s32 v0, v10  }
0x30: {  	[tilespmem:$0x5100] =	vst v10;
	v10 =	vadd.s32 v0, v11  }
0x31: {  	s0 =	simm.s32 @!p0 $0x4;
	[tilespmem:$0x5110] =	vst v10  }
0x32: {  	_ =	swait.ge @!p0 [sflag:s0], $0x1000  }
0x33: {  	s31 =	sshll.u32 s26, $0xA;
	s26 =	sadd.s32 $0x1, s26;
	[sflag:s0] =	ssyncset.done @!p0 $0x0  }
0x34: {  	[sflag:s0] =	ssyncadd.s32 @!p0 $0xFFFFF000;
	p0 =	sne.s32 s26, $0x40  }
0x35: {  	[tilespmem:s20], [sflag:$0x2] =	stream.indirect.gather [hbm4b:s3+s18], $0x80, s19, s18, $0xb8;
	[tilespmem:$0x7180] =	vst v63  }
.Ltmp3:
0x36: {  	_ = 	snop;
	(pc) =	sbr.rel @!p0 .LBB2_15-.Ltmp3, $4  }
0x37: {  	_ =	swait.ge [sflag:s5], $0x1000  }
0x38: {  	[sflag:s5] =	ssyncset.done $0x0  }
0x39: {  	s0 =	sadd.s32 s31, s10;
	[sflag:s5] =	ssyncadd.s32 $0xFFFFF000  }
0x3a: {  	[hbm4b:s0+s2] =	stream.linear.scatter [tilespmem:s21], [sflag:$0x3], $0x1000, $0x38;
	[tilespmem:$0x7180] =	vst v63  }
.LBB2_2:
0x3b: {  	s28 =	sshll.u32 s26, $0x1  }
0x3c: {  	s0 =	sadd.s32 s8, s28  }
0x3d: {  	s0 =	sshll.u32 s0, $0x4  }
0x3e: {  	s0 =	sand.u32 $0x3FFFFFF0, s0  }
0x3f: {  	v12 =	vld [tilespmem:s0+$0x3000];
	_ =	sdelay $0x1  }
.Ltmp4:
0x40: {  	_ = 	snop;
	(pc) =	sbr.rel .LBB2_3-.Ltmp4, $3  }
0x41: {  	_ =	sdelay $0x1  }
0x42: {  	s29 =	simm.s32 $0x0;
	v10 =	vperm.xlane v12, v1  }
0x43: {  	s30 =	simm.s32 $0x2000;
	s31 =	simm.s32 $0x0;
	s1 =	simm.s32 $0x0;
	v11 =	vperm.xlane v12, v2;
	v12 =	vperm.xlane v12, v4  }
.LBB2_6:
0x44: {  	v15 =	vld [tilespmem:s16+$0x0];
	_ =	sdelay $0x2  }
0x45: {  	v13 =	vsub.f32 v10, v13;
	v14 =	vsub.f32 v11, v14;
	_ =	sdelay $0x1  }
0x46: {  	v13 =	vmul.f32 v13, v13;
	v14 =	vmul.f32 v14, v14;
	v15 =	vsub.f32 v12, v15;
	_ =	sdelay $0x1  }
0x47: {  	v13 =	vadd.f32 v14, v13;
	v15 =	vmul.f32 v15, v15;
	_ =	sdelay $0x1  }
0x48: {  	v13 =	vadd.f32 v15, v13;
	_ =	sdelay $0x1  }
0x49: {  	vm3 =	vle.f32 v13, $3.999999910e-02  }
0x4a: {  	v13 =	vsel vm3, $0x1, v1  }
0x4b: {  	v14 =	vperm.xlane v13, v3  }
0x4c: {  	vm4 =	veq.s32 v7, $0x0  }
0x4d: {  	v14 =	vsel vm4, $0x0, v14  }
0x4e: {  	v13 =	vadd.s32 v13, v14  }
0x4f: {  	v14 =	vperm.xlane v13, v5;
	_ =	sdelay $0x1  }
0x50: {  	v14 =	vsel vm0, $0x0, v14  }
0x51: {  	v13 =	vadd.s32 v14, v13  }
0x52: {  	v14 =	vperm.xlane v13, v6;
	_ =	sdelay $0x1  }
0x53: {  	v14 =	vsel vm1, $0x0, v14  }
0x54: {  	v13 =	vadd.s32 v14, v13  }
0x55: {  	v14 =	vperm.xlane v13, v8;
	_ =	sdelay $0x1  }
0x56: {  	v14 =	vsel vm2, $0x0, v14  }
0x57: {  	v13 =	vadd.s32 v14, v13  }
0x58: {  	(v2sf) =	vpush v13, $0xF;
	_ =	sdelay $0x5  }
0x59: {  	s6 =	spop (v2sf)  }
0x5a: {  	s6 =	sadd.s32 s29, s6  }
0x5b: {  	s7 =	sadd.s32 $0xFFFFFFFF, s6  }
0x5c: {  	v13 =	vadd.s32 s7, v13  }
0x5d: {  	vm15 =	vlt.s32 v13, $0x30  }
0x5e: {  	v13 =	vnsel vm15, $0x30, v13;
	_ =	sdelay $0x2  }
0x5f: {  	s0 =	sadd.s32 s0, s31  }
0x60: {  	v14 =	vor.u32 s0, v7;
	s16 =	spop (v2sf)  }
0x61: {  	[tilespmem:v13+s17+$0x0] =	vst.idx.msk vm3, v14;
	s29 =	sadd.s32 s6, s16  }
.LBB2_7:
0x62: {  	s1 =	sadd.s32 $0x1, s1  }
0x63: {  	p0 =	sne.s32 s1, $0x20  }
.Ltmp5:
0x64: {  	_ = 	snop;
	(pc) =	sbr.rel @!p0 .LBB2_8-.Ltmp5, $2  }
0x65: {  	_ =	sdelay $0x2  }
0x66: {  	s31 =	sadd.s32 $0x80, s31;
	s30 =	sadd.s32 $0x80, s30  }
.LBB2_3:
0x67: {  	p0 =	sgt.s32 s29, $0x1F  }
.Ltmp6:
0x68: {  	_ = 	snop;
	(pc) =	sbr.rel @p0 .LBB2_7-.Ltmp6, $1  }
0x69: {  	_ =	sdelay $0x3  }
0x6a: {  	v13 =	vld [tilespmem:s30+$0xFFFFE000]  }
0x6b: {  	v14 =	vld [tilespmem:s30+$0xFFFFF000];
	_ =	sdelay $0x1  }
0x6c: {  	v15 =	vld [tilespmem:s30+$0x0];
	_ =	sdelay $0x2  }
0x6d: {  	v13 =	vsub.f32 v10, v13;
	v14 =	vsub.f32 v11, v14;
	_ =	sdelay $0x1  }
0x6e: {  	v15 =	vsub.f32 v12, v15;
	v13 =	vmul.f32 v13, v13;
	v14 =	vmul.f32 v14, v14;
	_ =	sdelay $0x1  }
0x6f: {  	v15 =	vmul.f32 v15, v15;
	v13 =	vadd.f32 v14, v13;
	_ =	sdelay $0x1  }
0x70: {  	v13 =	vadd.f32 v15, v13;
	_ =	sdelay $0x1  }
0x71: {  	vm4 =	vle.f32 v13, $3.999999910e-02  }
0x72: {  	v13 =	vsel vm4, $0x1, v1  }
0x73: {  	v14 =	vperm.xlane v13, v3  }
0x74: {  	vm3 =	veq.s32 v7, $0x0  }
0x75: {  	v14 =	vsel vm3, $0x0, v14  }
0x76: {  	v13 =	vadd.s32 v13, v14  }
0x77: {  	v14 =	vperm.xlane v13, v5;
	_ =	sdelay $0x1  }
0x78: {  	v14 =	vsel vm0, $0x0, v14  }
0x79: {  	v13 =	vadd.s32 v14, v13  }
0x7a: {  	v14 =	vperm.xlane v13, v6;
	_ =	sdelay $0x1  }
0x7b: {  	v14 =	vsel vm1, $0x0, v14  }
0x7c: {  	v13 =	vadd.s32 v14, v13  }
0x7d: {  	v14 =	vperm.xlane v13, v8;
	_ =	sdelay $0x1  }
0x7e: {  	v14 =	vsel vm2, $0x0, v14  }
0x7f: {  	s0 =	sadd.s32 $0xFFFFFFFF, s29;
	v14 =	vadd.s32 v14, v13  }
0x80: {  	v13 =	vadd.s32 s0, v14;
	(v2sf) =	vpush v14, $0xF  }
0x81: {  	vm5 =	vlt.s32 v13, $0x30  }
0x82: {  	v13 =	vnsel vm5, $0x30, v13;
	_ =	sdelay $0x2  }
0x83: {  	s16 =	sadd.s32 $0x0, s31  }
0x84: {  	v15 =	vor.u32 s16, v7  }
0x85: {  	s16 =	sadd.s32 $0x10, s30;
	[tilespmem:v13+s17+$0x0] =	vst.idx.msk vm4, v15  }
0x86: {  	v13 =	vld [tilespmem:s16+$0xFFFFE000]  }
0x87: {  	s6 =	simm.s32 $0x20;
	s0 =	simm.s32 $0x10;
	v14 =	vld [tilespmem:s16+$0xFFFFF000]  }
.LBB2_5:
0x88: {  	p0 =	sne.s32 s6, $0x70  }
0x89: {  	v15 =	vld [tilespmem:s16+$0x0];
	_ =	sdelay $0x2  }
0x8a: {  	v13 =	vsub.f32 v10, v13;
	v14 =	vsub.f32 v11, v14  }
0x8b: {  	s7 =	spop (v2sf)  }
0x8c: {  	v13 =	vmul.f32 v13, v13;
	v14 =	vmul.f32 v14, v14;
	v15 =	vsub.f32 v12, v15;
	s29 =	sadd.s32 s29, s7  }
0x8d: {  	s7 =	sadd.s32 $0xFFFFFFFF, s29  }
0x8e: {  	v13 =	vadd.f32 v14, v13;
	v15 =	vmul.f32 v15, v15;
	_ =	sdelay $0x1  }
0x8f: {  	v13 =	vadd.f32 v15, v13;
	_ =	sdelay $0x1  }
0x90: {  	vm4 =	vle.f32 v13, $3.999999910e-02  }
0x91: {  	v13 =	vsel vm4, $0x1, v1  }
0x92: {  	v14 =	vperm.xlane v13, v3;
	_ =	sdelay $0x1  }
0x93: {  	v14 =	vsel vm3, $0x0, v14  }
0x94: {  	v13 =	vadd.s32 v13, v14  }
0x95: {  	v14 =	vperm.xlane v13, v5;
	_ =	sdelay $0x1  }
0x96: {  	v14 =	vsel vm0, $0x0, v14  }
0x97: {  	v13 =	vadd.s32 v14, v13  }
0x98: {  	v14 =	vperm.xlane v13, v6;
	_ =	sdelay $0x1  }
0x99: {  	v14 =	vsel vm1, $0x0, v14  }
0x9a: {  	v13 =	vadd.s32 v14, v13  }
0x9b: {  	v14 =	vperm.xlane v13, v8;
	_ =	sdelay $0x1  }
0x9c: {  	v14 =	vsel vm2, $0x0, v14  }
0x9d: {  	v13 =	vadd.s32 v14, v13  }
0x9e: {  	v14 =	vadd.s32 s7, v13;
	(v2sf) =	vpush v13, $0xF  }
0x9f: {  	vm5 =	vlt.s32 v14, $0x30  }
0xa0: {  	v13 =	vnsel vm5, $0x30, v14;
	_ =	sdelay $0x2  }
.Ltmp7:
0xa1: {  	s7 =	sadd.s32 s0, s31;
	s0 =	smov.u32 s6;
	(pc) =	sbr.rel @p0 .LBB2_5-.Ltmp7, $4  }
0xa2: {  	v14 =	vor.u32 s7, v7  }
0xa3: {  	s16 =	sadd.s32 $0x10, s16;
	[tilespmem:v13+s17+$0x0] =	vst.idx.msk vm4, v14  }
0xa4: {  	v13 =	vld [tilespmem:s16+$0xFFFFE000]  }
0xa5: {  	s6 =	sadd.s32 $0x10, s6;
	v14 =	vld [tilespmem:s16+$0xFFFFF000]  }
.Ltmp8:
0xa6: {  	_ = 	snop;
	(pc) =	sbr.rel .LBB2_6-.Ltmp8, $1  }
0xa7: {  	_ =	sdelay $0x3  }
.LBB2_8:
0xa8: {  	v10 =	vld [tilespmem:$0x5000];
	_ =	sdelay $0x2  }
0xa9: {  	p0 =	slt.s32 s29, $0x20;
	v11 =	vld [tilespmem:$0x5010]  }
0xaa: {  	s29 =	simm.s32 @!p0 $0x20  }
0xab: {  	v13 =	vmov s29;
	v12 =	vperm.xlane v10, v1  }
0xac: {  	vm3 =	vgt.s32 v13, v7  }
0xad: {  	v10 =	vsel vm3, v10, v12;
	vm3 =	vgt.s32 v13, v9  }
0xae: {  	v11 =	vsel vm3, v11, v12;
	v10 =	vadd.s32 v0, v10  }
0xaf: {  	p0 =	seq.s32 s26, $0x0;
	[tilespmem:$0x5080] =	vst v10;
	v10 =	vadd.s32 v0, v11  }
0xb0: {  	s0 =	simm.s32 @p0 $0x20;
	s1 =	simm.s32 @p0 $0x5080;
	s6 =	simm.s32 @p0 $0x5180;
	[tilespmem:$0x5090] =	vst v10  }
0xb1: {  	[tilespmem:s6], [sflag:$0x1] =	stream.indirect.gather @p0 [hbm4b:s3+s0], $0x80, s1, s0, $0xb8;
	[tilespmem:$0x7180] =	vst v63  }
0xb2: {  	s0 =	simm.s32 @!p0 $0x3  }
0xb3: {  	_ =	swait.ge @!p0 [sflag:s0], $0x1000  }
0xb4: {  	s1 =	simm.s32 @!p0 $0x5080;
	[sflag:s0] =	ssyncset.done @!p0 $0x0  }
0xb5: {  	s6 =	simm.s32 @!p0 $0x5180;
	[sflag:s0] =	ssyncadd.s32 @!p0 $0xFFFFF000;
	s0 =	simm.s32 @!p0 $0x20  }
0xb6: {  	[tilespmem:s6], [sflag:$0x1] =	stream.indirect.gather @!p0 [hbm4b:s3+s0], $0x80, s1, s0, $0xb8;
	[tilespmem:$0x7180] =	vst v63  }
0xb7: {  	s0 =	simm.s32 @!p0 $0x2  }
0xb8: {  	s1 =	sshll.u32 @!p0 s26, $0xD;
	_ =	swait.ge @!p0 [sflag:s0], $0x1000  }
0xb9: {  	s16 =	sor.u32 $0x1, s28;
	s1 =	sadd.s32 @!p0 s1, s9;
	[sflag:s0] =	ssyncset.done @!p0 $0x0  }
0xba: {  	s31 =	sadd.s32 s8, s16;
	[sflag:s0] =	ssyncadd.s32 @!p0 $0xFFFFF000;
	s0 =	sshrl.u32 @!p0 s1, $0x3  }
0xbb: {  	s7 =	simm.s32 @!p0 $0x6180;
	s1 =	simm.s32 @!p0 $0x0;
	s0 =	sadd.s32 @!p0 s4, s0  }
0xbc: {  	[hbm4b:s0+s1] =	stream.linear.scatter @!p0 [tilespmem:s7], [sflag:$0x4], $0x1000, $0x38;
	[tilespmem:$0x7180] =	vst v63  }
0xbd: {  	s0 =	sshll.u32 s31, $0x4  }
0xbe: {  	s0 =	sand.u32 $0x3FFFFFF0, s0  }
0xbf: {  	v12 =	vld [tilespmem:s0+$0x3000];
	_ =	sdelay $0x1  }
.Ltmp9:
0xc0: {  	_ = 	snop;
	(pc) =	sbr.rel .LBB2_9-.Ltmp9, $3  }
0xc1: {  	_ =	sdelay $0x1  }
0xc2: {  	s28 =	simm.s32 $0x0;
	v10 =	vperm.xlane v12, v1  }
0xc3: {  	s30 =	simm.s32 $0x0;
	s29 =	simm.s32 $0x2000;
	s1 =	simm.s32 $0x0;
	v11 =	vperm.xlane v12, v2;
	v12 =	vperm.xlane v12, v4  }
.LBB2_12:
0xc4: {  	v15 =	vld [tilespmem:s16+$0x0];
	_ =	sdelay $0x2  }
0xc5: {  	v13 =	vsub.f32 v10, v13;
	v14 =	vsub.f32 v11, v14;
	_ =	sdelay $0x1  }
0xc6: {  	v13 =	vmul.f32 v13, v13;
	v14 =	vmul.f32 v14, v14;
	v15 =	vsub.f32 v12, v15;
	_ =	sdelay $0x1  }
0xc7: {  	v13 =	vadd.f32 v14, v13;
	v15 =	vmul.f32 v15, v15;
	_ =	sdelay $0x1  }
0xc8: {  	v13 =	vadd.f32 v15, v13;
	_ =	sdelay $0x1  }
0xc9: {  	vm3 =	vle.f32 v13, $3.999999910e-02  }
0xca: {  	v13 =	vsel vm3, $0x1, v1  }
0xcb: {  	v14 =	vperm.xlane v13, v3  }
0xcc: {  	vm4 =	veq.s32 v7, $0x0  }
0xcd: {  	v14 =	vsel vm4, $0x0, v14  }
0xce: {  	v13 =	vadd.s32 v13, v14  }
0xcf: {  	v14 =	vperm.xlane v13, v5;
	_ =	sdelay $0x1  }
0xd0: {  	v14 =	vsel vm0, $0x0, v14  }
0xd1: {  	v13 =	vadd.s32 v14, v13  }
0xd2: {  	v14 =	vperm.xlane v13, v6;
	_ =	sdelay $0x1  }
0xd3: {  	v14 =	vsel vm1, $0x0, v14  }
0xd4: {  	v13 =	vadd.s32 v14, v13  }
0xd5: {  	v14 =	vperm.xlane v13, v8;
	_ =	sdelay $0x1  }
0xd6: {  	v14 =	vsel vm2, $0x0, v14  }
0xd7: {  	v13 =	vadd.s32 v14, v13  }
0xd8: {  	(v2sf) =	vpush v13, $0xF;
	_ =	sdelay $0x5  }
0xd9: {  	s6 =	spop (v2sf)  }
0xda: {  	s6 =	sadd.s32 s28, s6  }
0xdb: {  	s7 =	sadd.s32 $0xFFFFFFFF, s6  }
0xdc: {  	v13 =	vadd.s32 s7, v13  }
0xdd: {  	vm15 =	vlt.s32 v13, $0x30  }
0xde: {  	v13 =	vnsel vm15, $0x30, v13;
	_ =	sdelay $0x2  }
0xdf: {  	s0 =	sadd.s32 s0, s30  }
0xe0: {  	v14 =	vor.u32 s0, v7;
	s31 =	spop (v2sf)  }
0xe1: {  	[tilespmem:v13+s17+$0x0] =	vst.idx.msk vm3, v14;
	s28 =	sadd.s32 s6, s31  }
.LBB2_13:
0xe2: {  	s1 =	sadd.s32 $0x1, s1  }
0xe3: {  	p1 =	sne.s32 s1, $0x20  }
.Ltmp10:
0xe4: {  	_ = 	snop;
	(pc) =	sbr.rel @!p1 .LBB2_14-.Ltmp10, $2  }
0xe5: {  	_ =	sdelay $0x2  }
0xe6: {  	s30 =	sadd.s32 $0x80, s30;
	s29 =	sadd.s32 $0x80, s29  }
.LBB2_9:
0xe7: {  	p1 =	sgt.s32 s28, $0x1F  }
.Ltmp11:
0xe8: {  	_ = 	snop;
	(pc) =	sbr.rel @p1 .LBB2_13-.Ltmp11, $1  }
0xe9: {  	_ =	sdelay $0x3  }
0xea: {  	v13 =	vld [tilespmem:s29+$0xFFFFE000]  }
0xeb: {  	v14 =	vld [tilespmem:s29+$0xFFFFF000];
	_ =	sdelay $0x1  }
0xec: {  	v15 =	vld [tilespmem:s29+$0x0];
	_ =	sdelay $0x2  }
0xed: {  	v13 =	vsub.f32 v10, v13;
	v14 =	vsub.f32 v11, v14;
	_ =	sdelay $0x1  }
0xee: {  	v15 =	vsub.f32 v12, v15;
	v13 =	vmul.f32 v13, v13;
	v14 =	vmul.f32 v14, v14;
	_ =	sdelay $0x1  }
0xef: {  	v15 =	vmul.f32 v15, v15;
	v13 =	vadd.f32 v14, v13;
	_ =	sdelay $0x1  }
0xf0: {  	v13 =	vadd.f32 v15, v13;
	_ =	sdelay $0x1  }
0xf1: {  	vm4 =	vle.f32 v13, $3.999999910e-02  }
0xf2: {  	v13 =	vsel vm4, $0x1, v1  }
0xf3: {  	v14 =	vperm.xlane v13, v3  }
0xf4: {  	vm3 =	veq.s32 v7, $0x0  }
0xf5: {  	v14 =	vsel vm3, $0x0, v14  }
0xf6: {  	v13 =	vadd.s32 v13, v14  }
0xf7: {  	v14 =	vperm.xlane v13, v5;
	_ =	sdelay $0x1  }
0xf8: {  	v14 =	vsel vm0, $0x0, v14  }
0xf9: {  	v13 =	vadd.s32 v14, v13  }
0xfa: {  	v14 =	vperm.xlane v13, v6;
	_ =	sdelay $0x1  }
0xfb: {  	v14 =	vsel vm1, $0x0, v14  }
0xfc: {  	v13 =	vadd.s32 v14, v13  }
0xfd: {  	v14 =	vperm.xlane v13, v8;
	_ =	sdelay $0x1  }
0xfe: {  	v14 =	vsel vm2, $0x0, v14  }
0xff: {  	s0 =	sadd.s32 $0xFFFFFFFF, s28;
	v14 =	vadd.s32 v14, v13  }
0x100: {  	v13 =	vadd.s32 s0, v14;
	(v2sf) =	vpush v14, $0xF  }
0x101: {  	vm5 =	vlt.s32 v13, $0x30  }
0x102: {  	v13 =	vnsel vm5, $0x30, v13;
	_ =	sdelay $0x2  }
0x103: {  	s31 =	sadd.s32 $0x0, s30  }
0x104: {  	v15 =	vor.u32 s31, v7  }
0x105: {  	s16 =	sadd.s32 $0x10, s29;
	[tilespmem:v13+s17+$0x0] =	vst.idx.msk vm4, v15  }
0x106: {  	v13 =	vld [tilespmem:s16+$0xFFFFE000]  }
0x107: {  	s6 =	simm.s32 $0x20;
	s0 =	simm.s32 $0x10;
	v14 =	vld [tilespmem:s16+$0xFFFFF000]  }
.LBB2_11:
0x108: {  	p1 =	sne.s32 s6, $0x70  }
0x109: {  	v15 =	vld [tilespmem:s16+$0x0];
	_ =	sdelay $0x2  }
0x10a: {  	v13 =	vsub.f32 v10, v13;
	v14 =	vsub.f32 v11, v14  }
0x10b: {  	s7 =	spop (v2sf)  }
0x10c: {  	v13 =	vmul.f32 v13, v13;
	v14 =	vmul.f32 v14, v14;
	v15 =	vsub.f32 v12, v15;
	s28 =	sadd.s32 s28, s7  }
0x10d: {  	s7 =	sadd.s32 $0xFFFFFFFF, s28  }
0x10e: {  	v13 =	vadd.f32 v14, v13;
	v15 =	vmul.f32 v15, v15;
	_ =	sdelay $0x1  }
0x10f: {  	v13 =	vadd.f32 v15, v13;
	_ =	sdelay $0x1  }
0x110: {  	vm4 =	vle.f32 v13, $3.999999910e-02  }
0x111: {  	v13 =	vsel vm4, $0x1, v1  }
0x112: {  	v14 =	vperm.xlane v13, v3;
	_ =	sdelay $0x1  }
0x113: {  	v14 =	vsel vm3, $0x0, v14  }
0x114: {  	v13 =	vadd.s32 v13, v14  }
0x115: {  	v14 =	vperm.xlane v13, v5;
	_ =	sdelay $0x1  }
0x116: {  	v14 =	vsel vm0, $0x0, v14  }
0x117: {  	v13 =	vadd.s32 v14, v13  }
0x118: {  	v14 =	vperm.xlane v13, v6;
	_ =	sdelay $0x1  }
0x119: {  	v14 =	vsel vm1, $0x0, v14  }
0x11a: {  	v13 =	vadd.s32 v14, v13  }
0x11b: {  	v14 =	vperm.xlane v13, v8;
	_ =	sdelay $0x1  }
0x11c: {  	v14 =	vsel vm2, $0x0, v14  }
0x11d: {  	v13 =	vadd.s32 v14, v13  }
0x11e: {  	v14 =	vadd.s32 s7, v13;
	(v2sf) =	vpush v13, $0xF  }
0x11f: {  	vm5 =	vlt.s32 v14, $0x30  }
0x120: {  	v13 =	vnsel vm5, $0x30, v14;
	_ =	sdelay $0x2  }
.Ltmp12:
0x121: {  	s7 =	sadd.s32 s0, s30;
	s0 =	smov.u32 s6;
	(pc) =	sbr.rel @p1 .LBB2_11-.Ltmp12, $4  }
0x122: {  	v14 =	vor.u32 s7, v7  }
0x123: {  	s16 =	sadd.s32 $0x10, s16;
	[tilespmem:v13+s17+$0x0] =	vst.idx.msk vm4, v14  }
0x124: {  	v13 =	vld [tilespmem:s16+$0xFFFFE000]  }
0x125: {  	s6 =	sadd.s32 $0x10, s6;
	v14 =	vld [tilespmem:s16+$0xFFFFF000]  }
.Ltmp13:
0x126: {  	_ = 	snop;
	(pc) =	sbr.rel .LBB2_12-.Ltmp13, $1  }
0x127: {  	_ =	sdelay $0x3  }
.LBB2_16:
0x128: {  	_ =	sfence.sel $0x180000  }
0x129: {  	[bflag:$0x0] =	sbarrier.arrive $0xFFFF  }
0x12a: {  	_ =	strace $0x90000047  }
0x12b: {  	s0 =	stileid.u32;
	[bflag:$0x2] =	sbarrier.arrive $0xFFFF  }
0x12c: {  	p0 =	sne.s32 s0, $0x0;
	s0 =	rddreg [dreg:$0x3]  }
0x12d: {  	s0 =	sadd.s32 @!p0 $0x100000, s0  }
0x12e: {  	[sflag:s0] =	ssyncadd.tile.s32 @!p0 $0x1;
	_ =	shalt  }
.Lfunc_end2:
_tile_overlayer_lowered:
.L_overlay_start_2:
0x12f: {  	(tag) =	ssettag $0x2  }
0x130: {  	s0 =	rddreg [dreg:$0x0];
	s2 =	stileid.u32  }
0x131: {  	s1 =	rddreg [dreg:$0x1];
	p0 =	sne.s32 s2, $0x0  }
0x132: {  	s3 =	rddreg [dreg:$0x2];
	[bflag:$0x3] =	sbarrier.arrive $0xFFFF;
	s2 =	simm.s32 @!p0 $0x1C05  }
0x133: {  	[timem:s3], [sflag:s2] =	dma.local @!p0 [hbm:s0], s1  }
0x134: {  	s0 =	simm.s32 @!p0 $0x5  }
0x135: {  	_ =	swait.ge @!p0 [sflag:s0], s1  }
0x136: {  	s1 =	ssub.s32 @!p0 $0x0, s1;
	[sflag:s0] =	ssyncset.done @!p0 $0x0  }
0x137: {  	[sflag:s0] =	ssyncadd.s32 @!p0 s1  }
0x138: {  	[bflag:$0x3] =	sbarrier.arrive $0xFFFF  }
0x139: {  	_ =	shalt  }

</sc_bundles>
